<compile_context>
chip_gen: v7x
topology: tpu7x:2x2x1
jax: 0.10.2.dev20260603
libtpu: 0.0.44.dev20260713+nightly
codegen_flags: <defaults>
</compile_context>

<pallas_src>
import functools

import jax
import jax.numpy as jnp
from jax import lax
from jax.experimental import pallas as pl
from jax.experimental.pallas import tpu as pltpu
from jax.experimental.pallas import tpu_sc as plsc

N_TOKENS = 32768
B = 16
D = 1024
L = 16
NC = 2
NS = 16
NW = NC * NS
ROWS_PER_W = N_TOKENS // NW
K = 6
LEAD = 3
BLK = 16
NBLK = ROWS_PER_W // BLK


def _norm_body(img_hbm, par_hbm, out_hbm,
               par_v, bm_v, bi_v, bufs, sems_in, sems_out):
    wid = lax.axis_index("s") * NC + lax.axis_index("c")
    base = wid * ROWS_PER_W

    pltpu.sync_copy(par_hbm, par_v)
    cu = par_v[pl.ds(0, L)]
    si = par_v[pl.ds(L, L)]
    mp = plsc.bitcast(par_v[pl.ds(2 * L, L)], jnp.float32)
    sp = plsc.bitcast(par_v[pl.ds(3 * L, L)], jnp.float32)
    bm_v[...] = mp
    bi_v[...] = sp
    bm_v[...] = plsc.load_gather(bm_v, [si])
    bi_v[...] = 1.0 / plsc.load_gather(bi_v, [si])

    def in_cp(blk, slot):
        row0 = base + blk * BLK
        return pltpu.make_async_copy(
            img_hbm.at[pl.ds(row0, BLK)], bufs.at[slot], sems_in.at[slot])

    def out_cp(blk, slot):
        row0 = base + blk * BLK
        return pltpu.make_async_copy(
            bufs.at[slot], out_hbm.at[pl.ds(row0, BLK)], sems_out.at[slot])

    def compute(blk, slot):
        buf = bufs.at[slot]
        row0 = base + blk * BLK

        def row_body(i, c2):
            r = row0 + i
            seg = plsc.all_reduce_population_count(
                cu <= jnp.full((L,), r, jnp.int32))
            m = plsc.load_gather(bm_v, [seg])
            iv = plsc.load_gather(bi_v, [seg])
            for c in range(D // L):
                x = buf[i, pl.ds(c * L, L)]
                buf[i, pl.ds(c * L, L)] = (x - m) * iv
            return c2

        lax.fori_loop(0, BLK, row_body, 0, unroll=False)

    for b in range(LEAD):
        in_cp(b, b).start()

    def step(blk, carry):
        slot = lax.rem(blk, K)
        slot_next = lax.rem(blk + LEAD, K)
        @pl.when(blk + LEAD >= K)
        def _():
            out_cp(blk + LEAD - K, slot_next).wait()

        @pl.when(blk + LEAD < NBLK)
        def _():
            in_cp(blk + LEAD, slot_next).start()

        in_cp(blk, slot).wait()
        compute(blk, slot)
        out_cp(blk, slot).start()
        return carry

    lax.fori_loop(0, NBLK, step, 0, unroll=False)
    for b in range(NBLK - (K - LEAD), NBLK):
        out_cp(b, b % K).wait()


_norm_sc = functools.partial(
    pl.kernel,
    out_type=jax.ShapeDtypeStruct((N_TOKENS, D), jnp.float32),
    mesh=plsc.VectorSubcoreMesh(core_axis_name="c", subcore_axis_name="s"),
    compiler_params=pltpu.CompilerParams(needs_layout_passes=False),
    scratch_types=[
        pltpu.VMEM((4 * L,), jnp.int32),
        pltpu.VMEM((L,), jnp.float32),
        pltpu.VMEM((L,), jnp.float32),
        pltpu.VMEM((K, BLK, D), jnp.float32),
        pltpu.SemaphoreType.DMA((K,)),
        pltpu.SemaphoreType.DMA((K,)),
    ],
)(_norm_body)


@jax.jit
def kernel(img, stat_idx, cu_seqlens, means, stds):
    nstats = means.shape[0]
    mp = jnp.concatenate(
        [means.astype(jnp.float32),
         jnp.zeros((L - nstats,), jnp.float32)])
    sp = jnp.concatenate(
        [stds.astype(jnp.float32),
         jnp.ones((L - nstats,), jnp.float32)])
    par = jnp.concatenate([
        cu_seqlens[1:].astype(jnp.int32),
        stat_idx.astype(jnp.int32),
        lax.bitcast_convert_type(mp, jnp.int32),
        lax.bitcast_convert_type(sp, jnp.int32),
    ])
    return _norm_sc(img, par)

# --- scband reference (transcript-rebuilt; emitter-appended) ---
"""Pipeline reference for scband-normalization-module-79688823210355 (READ-ONLY COPY).

The authoritative reference and input builder live on the scoring server;
editing this copy changes nothing except your own understanding.
"""

import jax, jax.numpy as jnp
import numpy as np

N_TOKENS = 32768
B = 16
D = 1024

DEFAULT_MEANS = [0.3141, 0.4139, 0.3184, 0.2719]
DEFAULT_STDS = [0.2623, 0.4059, 0.3605, 0.1875]


def setup_inputs(seed: int = 0) -> dict:
    key = jax.random.key(seed)
    k1, k2, k3 = jax.random.split(key, 3)
    # img: float32 tokens in [0, 1) (torch path skips /255 for non-uint8 input)
    img = jax.random.uniform(k1, (N_TOKENS, D), dtype=jnp.float32)
    # stat_idx encodes (mode, path) -> normalization row: 0=MRI, 1=CT Brain, 2=CT Blood, 3=CT Bone
    stat_idx = jax.random.randint(k2, (B,), 0, 4, dtype=jnp.int32)
    # valid ragged cu_seqlens: fixed endpoints 0 and N_TOKENS, sorted random interior cuts
    interior = jnp.sort(jax.random.randint(k3, (B - 1,), 0, N_TOKENS, dtype=jnp.int32))
    cu_seqlens = jnp.concatenate([
        jnp.zeros((1,), dtype=jnp.int32),
        interior,
        jnp.array([N_TOKENS], dtype=jnp.int32),
    ])
    # registered buffers sized per init_kwargs (custom_stats_list == defaults)
    means = jnp.array(DEFAULT_MEANS, dtype=jnp.float32)
    stds = jnp.array(DEFAULT_STDS, dtype=jnp.float32)
    return {"img": img, "stat_idx": stat_idx, "cu_seqlens": cu_seqlens, "means": means, "stds": stds}


def reference(img, stat_idx, cu_seqlens, means, stds):
    # get_normalization_params: gather per-sequence mean/std rows
    batch_means = jnp.take(means, stat_idx, axis=0)  # (B,)
    batch_stds = jnp.take(stds, stat_idx, axis=0)    # (B,)
    # map each token to its sequence id via cu_seqlens boundaries
    n = img.shape[0]
    tok_ids = jnp.arange(n, dtype=jnp.int32)
    seg = jnp.searchsorted(cu_seqlens[1:], tok_ids, side="right")  # (N,)
    tok_means = jnp.take(batch_means, seg, axis=0)[:, None]  # (N, 1)
    tok_stds = jnp.take(batch_stds, seg, axis=0)[:, None]    # (N, 1)
    # per-segment normalize (equivalent to the torch loop over cu_seqlens slices)
    out = (img - tok_means) / tok_stds
    return out

if __name__ == "__main__":
    import jax
    _d = setup_inputs()
    print(jax.jit(kernel)(*tuple(_d.values())))

</pallas_src>

<mosaic_0001>
#map = affine_map<(d0, d1) -> (0, 0)>
#map1 = affine_map<(d0, d1) -> (0)>
module attributes {stable_mosaic.version = 14 : i64} {
  func.func @_norm_body(%arg0: i32, %arg1: i32, %arg2: memref<32768x1024xf32, #tpu.memory_space<hbm>>, %arg3: memref<64xi32, #tpu.memory_space<hbm>>, %arg4: memref<32768x1024xf32, #tpu.memory_space<hbm>>, %arg5: memref<64xi32, #tpu.memory_space<vmem>>, %arg6: memref<16xf32, #tpu.memory_space<vmem>>, %arg7: memref<16xf32, #tpu.memory_space<vmem>>, %arg8: memref<6x16x1024xf32, #tpu.memory_space<vmem>>, %arg9: memref<6x!tpu.dma_semaphore, #tpu.memory_space<semaphore_mem>>, %arg10: memref<6x!tpu.dma_semaphore, #tpu.memory_space<semaphore_mem>>) attributes {dimension_semantics = [#tpu.dimension_semantics<core_parallel>, #tpu.dimension_semantics<subcore_parallel>], iteration_bounds = array<i64: 2, 16>, scalar_prefetch = 0 : i64, scratch_operands = 6 : i64, tpu.core_type = #tpu.core_type<sc_vector_subcore>, window_params = [{transform_indices = #map}, {transform_indices = #map1}, {transform_indices = #map}]} {
    %mul3A = arith.constant 2 : i32
    %mul3A_0 = arith.muli %arg1, %mul3A : i32
    %add3A = arith.addi %mul3A_0, %arg0 : i32
    %mul3A_1 = arith.constant 1024 : i32
    %mul3A_2 = arith.muli %add3A, %mul3A_1 : i32
    "tpu.region"() ({
      %run_scoped3A = tpu.sem_alloc : memref<!tpu.dma_semaphore, #tpu.memory_space<semaphore_mem>>
      tpu.enqueue_dma source(%arg3 : memref<64xi32, #tpu.memory_space<hbm>>) target(%arg5 : memref<64xi32, #tpu.memory_space<vmem>>) target_semaphore(%run_scoped3A : memref<!tpu.dma_semaphore, #tpu.memory_space<semaphore_mem>>)
      tpu.wait_dma2 semaphore(%run_scoped3A : memref<!tpu.dma_semaphore, #tpu.memory_space<semaphore_mem>>) src(%arg3 : memref<64xi32, #tpu.memory_space<hbm>>) dst(%arg5 : memref<64xi32, #tpu.memory_space<vmem>>)
      tpu.yield
    }) : () -> ()
    %get3A = arith.constant 0 : index
    %get3A_3 = tpu.vector_load %arg5[%get3A] {strides = array<i32>} : memref<64xi32, #tpu.memory_space<vmem>>, vector<16xi32>,
    %get3A_4 = arith.constant 16 : index
    %get3A_5 = tpu.vector_load %arg5[%get3A_4] {strides = array<i32>} : memref<64xi32, #tpu.memory_space<vmem>>, vector<16xi32>,
    %get3A_6 = arith.constant 32 : index
    %get3A_7 = tpu.vector_load %arg5[%get3A_6] {strides = array<i32>} : memref<64xi32, #tpu.memory_space<vmem>>, vector<16xi32>,
    %bitcast3A = vector.bitcast %get3A_7 : vector<16xi32> to vector<16xf32>
    %get3A_8 = arith.constant 48 : index
    %get3A_9 = tpu.vector_load %arg5[%get3A_8] {strides = array<i32>} : memref<64xi32, #tpu.memory_space<vmem>>, vector<16xi32>,
    %bitcast3A_10 = vector.bitcast %get3A_9 : vector<16xi32> to vector<16xf32>
    %swap3A = arith.constant 0 : index
    %swap3A_11 = tpu.vector_load %arg6[%swap3A] {strides = array<i32>} : memref<16xf32, #tpu.memory_space<vmem>>, vector<16xf32>,
    tpu.vector_store %arg6[%swap3A], %bitcast3A {strides = array<i32>} : memref<16xf32, #tpu.memory_space<vmem>>, vector<16xf32>,
    %swap3A_12 = arith.constant 0 : index
    %swap3A_13 = tpu.vector_load %arg7[%swap3A_12] {strides = array<i32>} : memref<16xf32, #tpu.memory_space<vmem>>, vector<16xf32>,
    tpu.vector_store %arg7[%swap3A_12], %bitcast3A_10 {strides = array<i32>} : memref<16xf32, #tpu.memory_space<vmem>>, vector<16xf32>,
    %gather3A = tpu.vector_load_idx %arg6[%get3A_5] : memref<16xf32, #tpu.memory_space<vmem>>[vector<16xi32>], vector<16xf32>,
    %swap3A_14 = arith.constant 0 : index
    %swap3A_15 = tpu.vector_load %arg6[%swap3A_14] {strides = array<i32>} : memref<16xf32, #tpu.memory_space<vmem>>, vector<16xf32>,
    tpu.vector_store %arg6[%swap3A_14], %gather3A {strides = array<i32>} : memref<16xf32, #tpu.memory_space<vmem>>, vector<16xf32>,
    %gather3A_16 = tpu.vector_load_idx %arg7[%get3A_5] : memref<16xf32, #tpu.memory_space<vmem>>[vector<16xi32>], vector<16xf32>,
    %div3A = arith.constant 1.000000e+00 : f32
    %div3A_17 = vector.broadcast %div3A : f32 to vector<16xf32>
    %div3A_18 = arith.divf %div3A_17, %gather3A_16 : vector<16xf32>
    %swap3A_19 = arith.constant 0 : index
    %swap3A_20 = tpu.vector_load %arg7[%swap3A_19] {strides = array<i32>} : memref<16xf32, #tpu.memory_space<vmem>>, vector<16xf32>,
    tpu.vector_store %arg7[%swap3A_19], %div3A_18 {strides = array<i32>} : memref<16xf32, #tpu.memory_space<vmem>>, vector<16xf32>,
    %add3A_21 = arith.constant 0 : i32
    %add3A_22 = arith.addi %mul3A_2, %add3A_21 : i32
    %dma_start3A = arith.constant 0 : i32
    %dma_start3A_23 = arith.constant 0 : i32
    %dma_start3A_24 = arith.constant 0 : i32
    %dma_start3A_25 = arith.constant 0 : i32
    %dma_start3A_26 = tpu.memref_slice %arg8[%dma_start3A, %dma_start3A_24, %dma_start3A_25] : memref<6x16x1024xf32, #tpu.memory_space<vmem>> -> memref<1x16x1024xf32, #tpu.memory_space<vmem>>
    %dma_start3A_27 = tpu.memref_squeeze %dma_start3A_26 : memref<1x16x1024xf32, #tpu.memory_space<vmem>> -> memref<16x1024xf32, #tpu.memory_space<vmem>>
    %dma_start3A_28 = arith.constant 0 : i32
    %dma_start3A_29 = tpu.memref_slice %arg2[%add3A_22, %dma_start3A_28] : memref<32768x1024xf32, #tpu.memory_space<hbm>> -> memref<16x1024xf32, #tpu.memory_space<hbm>>
    %dma_start3A_30 = tpu.memref_slice %arg9[%dma_start3A_23] : memref<6x!tpu.dma_semaphore, #tpu.memory_space<semaphore_mem>> -> memref<1x!tpu.dma_semaphore, #tpu.memory_space<semaphore_mem>>
    %dma_start3A_31 = tpu.memref_squeeze %dma_start3A_30 : memref<1x!tpu.dma_semaphore, #tpu.memory_space<semaphore_mem>> -> memref<!tpu.dma_semaphore, #tpu.memory_space<semaphore_mem>>
    %dma_start3A_32 = arith.constant 0 : i32
    %dma_start3A_33 = arith.constant 0 : i32
    %dma_start3A_34 = tpu.memref_slice %arg8[%dma_start3A, %dma_start3A_32, %dma_start3A_33] : memref<6x16x1024xf32, #tpu.memory_space<vmem>> -> memref<1x16x1024xf32, #tpu.memory_space<vmem>>
    %dma_start3A_35 = tpu.memref_squeeze %dma_start3A_34 : memref<1x16x1024xf32, #tpu.memory_space<vmem>> -> memref<16x1024xf32, #tpu.memory_space<vmem>>
    %dma_start3A_36 = arith.constant 0 : i32
    %dma_start3A_37 = tpu.memref_slice %arg2[%add3A_22, %dma_start3A_36] : memref<32768x1024xf32, #tpu.memory_space<hbm>> -> memref<16x1024xf32, #tpu.memory_space<hbm>>
    tpu.enqueue_dma source(%dma_start3A_37 : memref<16x1024xf32, #tpu.memory_space<hbm>>) target(%dma_start3A_35 : memref<16x1024xf32, #tpu.memory_space<vmem>>) target_semaphore(%dma_start3A_31 : memref<!tpu.dma_semaphore, #tpu.memory_space<semaphore_mem>>)
    %add3A_38 = arith.constant 16 : i32
    %add3A_39 = arith.addi %mul3A_2, %add3A_38 : i32
    %dma_start3A_40 = arith.constant 1 : i32
    %dma_start3A_41 = arith.constant 1 : i32
    %dma_start3A_42 = arith.constant 0 : i32
    %dma_start3A_43 = arith.constant 0 : i32
    %dma_start3A_44 = tpu.memref_slice %arg8[%dma_start3A_40, %dma_start3A_42, %dma_start3A_43] : memref<6x16x1024xf32, #tpu.memory_space<vmem>> -> memref<1x16x1024xf32, #tpu.memory_space<vmem>>
    %dma_start3A_45 = tpu.memref_squeeze %dma_start3A_44 : memref<1x16x1024xf32, #tpu.memory_space<vmem>> -> memref<16x1024xf32, #tpu.memory_space<vmem>>
    %dma_start3A_46 = arith.constant 0 : i32
    %dma_start3A_47 = tpu.memref_slice %arg2[%add3A_39, %dma_start3A_46] : memref<32768x1024xf32, #tpu.memory_space<hbm>> -> memref<16x1024xf32, #tpu.memory_space<hbm>>
    %dma_start3A_48 = tpu.memref_slice %arg9[%dma_start3A_41] : memref<6x!tpu.dma_semaphore, #tpu.memory_space<semaphore_mem>> -> memref<1x!tpu.dma_semaphore, #tpu.memory_space<semaphore_mem>>
    %dma_start3A_49 = tpu.memref_squeeze %dma_start3A_48 : memref<1x!tpu.dma_semaphore, #tpu.memory_space<semaphore_mem>> -> memref<!tpu.dma_semaphore, #tpu.memory_space<semaphore_mem>>
    %dma_start3A_50 = arith.constant 0 : i32
    %dma_start3A_51 = arith.constant 0 : i32
    %dma_start3A_52 = tpu.memref_slice %arg8[%dma_start3A_40, %dma_start3A_50, %dma_start3A_51] : memref<6x16x1024xf32, #tpu.memory_space<vmem>> -> memref<1x16x1024xf32, #tpu.memory_space<vmem>>
    %dma_start3A_53 = tpu.memref_squeeze %dma_start3A_52 : memref<1x16x1024xf32, #tpu.memory_space<vmem>> -> memref<16x1024xf32, #tpu.memory_space<vmem>>
    %dma_start3A_54 = arith.constant 0 : i32
    %dma_start3A_55 = tpu.memref_slice %arg2[%add3A_39, %dma_start3A_54] : memref<32768x1024xf32, #tpu.memory_space<hbm>> -> memref<16x1024xf32, #tpu.memory_space<hbm>>
    tpu.enqueue_dma source(%dma_start3A_55 : memref<16x1024xf32, #tpu.memory_space<hbm>>) target(%dma_start3A_53 : memref<16x1024xf32, #tpu.memory_space<vmem>>) target_semaphore(%dma_start3A_49 : memref<!tpu.dma_semaphore, #tpu.memory_space<semaphore_mem>>)
    %add3A_56 = arith.constant 32 : i32
    %add3A_57 = arith.addi %mul3A_2, %add3A_56 : i32
    %dma_start3A_58 = arith.constant 2 : i32
    %dma_start3A_59 = arith.constant 2 : i32
    %dma_start3A_60 = arith.constant 0 : i32
    %dma_start3A_61 = arith.constant 0 : i32
    %dma_start3A_62 = tpu.memref_slice %arg8[%dma_start3A_58, %dma_start3A_60, %dma_start3A_61] : memref<6x16x1024xf32, #tpu.memory_space<vmem>> -> memref<1x16x1024xf32, #tpu.memory_space<vmem>>
    %dma_start3A_63 = tpu.memref_squeeze %dma_start3A_62 : memref<1x16x1024xf32, #tpu.memory_space<vmem>> -> memref<16x1024xf32, #tpu.memory_space<vmem>>
    %dma_start3A_64 = arith.constant 0 : i32
    %dma_start3A_65 = tpu.memref_slice %arg2[%add3A_57, %dma_start3A_64] : memref<32768x1024xf32, #tpu.memory_space<hbm>> -> memref<16x1024xf32, #tpu.memory_space<hbm>>
    %dma_start3A_66 = tpu.memref_slice %arg9[%dma_start3A_59] : memref<6x!tpu.dma_semaphore, #tpu.memory_space<semaphore_mem>> -> memref<1x!tpu.dma_semaphore, #tpu.memory_space<semaphore_mem>>
    %dma_start3A_67 = tpu.memref_squeeze %dma_start3A_66 : memref<1x!tpu.dma_semaphore, #tpu.memory_space<semaphore_mem>> -> memref<!tpu.dma_semaphore, #tpu.memory_space<semaphore_mem>>
    %dma_start3A_68 = arith.constant 0 : i32
    %dma_start3A_69 = arith.constant 0 : i32
    %dma_start3A_70 = tpu.memref_slice %arg8[%dma_start3A_58, %dma_start3A_68, %dma_start3A_69] : memref<6x16x1024xf32, #tpu.memory_space<vmem>> -> memref<1x16x1024xf32, #tpu.memory_space<vmem>>
    %dma_start3A_71 = tpu.memref_squeeze %dma_start3A_70 : memref<1x16x1024xf32, #tpu.memory_space<vmem>> -> memref<16x1024xf32, #tpu.memory_space<vmem>>
    %dma_start3A_72 = arith.constant 0 : i32
    %dma_start3A_73 = tpu.memref_slice %arg2[%add3A_57, %dma_start3A_72] : memref<32768x1024xf32, #tpu.memory_space<hbm>> -> memref<16x1024xf32, #tpu.memory_space<hbm>>
    tpu.enqueue_dma source(%dma_start3A_73 : memref<16x1024xf32, #tpu.memory_space<hbm>>) target(%dma_start3A_71 : memref<16x1024xf32, #tpu.memory_space<vmem>>) target_semaphore(%dma_start3A_67 : memref<!tpu.dma_semaphore, #tpu.memory_space<semaphore_mem>>)
    %scan3A = arith.constant 0 : i32
    %scan3A_74 = arith.constant 0 : i32
    %scan3A_75 = arith.constant 64 : i32
    %scan3A_76 = arith.addi %scan3A_74, %scan3A_75 : i32
    %scan3A_77 = arith.constant 1 : i32
    scf.for %scan3A_132 = %scan3A_74 to %scan3A_76 step %scan3A_77  : i32 {
      %rem3A = arith.constant 6 : i32
      %rem3A_133 = arith.remsi %scan3A_132, %rem3A : i32
      %add3A_134 = arith.constant 3 : i32
      %add3A_135 = arith.addi %scan3A_132, %add3A_134 : i32
      %rem3A_136 = arith.constant 6 : i32
      %rem3A_137 = arith.remsi %add3A_135, %rem3A_136 : i32
      %add3A_138 = arith.constant 3 : i32
      %add3A_139 = arith.addi %scan3A_132, %add3A_138 : i32
      %ge3A = arith.constant 6 : i32
      %ge3A_140 = arith.cmpi sge, %add3A_139, %ge3A : i32
      %convert_element_type3A = arith.extui %ge3A_140 : i1 to i32
      %cond3A = arith.constant 0 : i32
      %cond3A_141 = arith.cmpi ne, %convert_element_type3A, %cond3A : i32
      scf.if %cond3A_141 {
        %add3A_191 = arith.constant 3 : i32
        %add3A_192 = arith.addi %scan3A_132, %add3A_191 : i32
        %sub3A = arith.constant 6 : i32
        %sub3A_193 = arith.subi %add3A_192, %sub3A : i32
        %mul3A_194 = arith.constant 16 : i32
        %mul3A_195 = arith.muli %sub3A_193, %mul3A_194 : i32
        %add3A_196 = arith.addi %mul3A_2, %mul3A_195 : i32
        %dma_wait3A_197 = arith.constant 0 : i32
        %dma_wait3A_198 = arith.constant 0 : i32
        %dma_wait3A_199 = tpu.memref_slice %arg8[%rem3A_137, %dma_wait3A_197, %dma_wait3A_198] : memref<6x16x1024xf32, #tpu.memory_space<vmem>> -> memref<1x16x1024xf32, #tpu.memory_space<vmem>>
        %dma_wait3A_200 = tpu.memref_squeeze %dma_wait3A_199 : memref<1x16x1024xf32, #tpu.memory_space<vmem>> -> memref<16x1024xf32, #tpu.memory_space<vmem>>
        %dma_wait3A_201 = arith.constant 0 : i32
        %dma_wait3A_202 = tpu.memref_slice %arg4[%add3A_196, %dma_wait3A_201] : memref<32768x1024xf32, #tpu.memory_space<hbm>> -> memref<16x1024xf32, #tpu.memory_space<hbm>>
        %dma_wait3A_203 = tpu.memref_slice %arg10[%rem3A_137] : memref<6x!tpu.dma_semaphore, #tpu.memory_space<semaphore_mem>> -> memref<1x!tpu.dma_semaphore, #tpu.memory_space<semaphore_mem>>
        %dma_wait3A_204 = tpu.memref_squeeze %dma_wait3A_203 : memref<1x!tpu.dma_semaphore, #tpu.memory_space<semaphore_mem>> -> memref<!tpu.dma_semaphore, #tpu.memory_space<semaphore_mem>>
        %dma_wait3A_205 = arith.constant 0 : i32
        %dma_wait3A_206 = tpu.memref_slice %arg4[%add3A_196, %dma_wait3A_205] : memref<32768x1024xf32, #tpu.memory_space<hbm>> -> memref<16x1024xf32, #tpu.memory_space<hbm>>
        %dma_wait3A_207 = arith.constant 0 : i32
        %dma_wait3A_208 = arith.constant 0 : i32
        %dma_wait3A_209 = tpu.memref_slice %arg8[%rem3A_137, %dma_wait3A_207, %dma_wait3A_208] : memref<6x16x1024xf32, #tpu.memory_space<vmem>> -> memref<1x16x1024xf32, #tpu.memory_space<vmem>>
        %dma_wait3A_210 = tpu.memref_squeeze %dma_wait3A_209 : memref<1x16x1024xf32, #tpu.memory_space<vmem>> -> memref<16x1024xf32, #tpu.memory_space<vmem>>
        tpu.wait_dma2 semaphore(%dma_wait3A_204 : memref<!tpu.dma_semaphore, #tpu.memory_space<semaphore_mem>>) src(%dma_wait3A_210 : memref<16x1024xf32, #tpu.memory_space<vmem>>) dst(%dma_wait3A_206 : memref<16x1024xf32, #tpu.memory_space<hbm>>)
      } else {
      }
      %add3A_142 = arith.constant 3 : i32
      %add3A_143 = arith.addi %scan3A_132, %add3A_142 : i32
      %lt3A = arith.constant 64 : i32
      %lt3A_144 = arith.cmpi slt, %add3A_143, %lt3A : i32
      %convert_element_type3A_145 = arith.extui %lt3A_144 : i1 to i32
      %cond3A_146 = arith.constant 0 : i32
      %cond3A_147 = arith.cmpi ne, %convert_element_type3A_145, %cond3A_146 : i32
      scf.if %cond3A_147 {
        %add3A_191 = arith.constant 3 : i32
        %add3A_192 = arith.addi %scan3A_132, %add3A_191 : i32
        %mul3A_193 = arith.constant 16 : i32
        %mul3A_194 = arith.muli %add3A_192, %mul3A_193 : i32
        %add3A_195 = arith.addi %mul3A_2, %mul3A_194 : i32
        %dma_start3A_196 = arith.constant 0 : i32
        %dma_start3A_197 = arith.constant 0 : i32
        %dma_start3A_198 = tpu.memref_slice %arg8[%rem3A_137, %dma_start3A_196, %dma_start3A_197] : memref<6x16x1024xf32, #tpu.memory_space<vmem>> -> memref<1x16x1024xf32, #tpu.memory_space<vmem>>
        %dma_start3A_199 = tpu.memref_squeeze %dma_start3A_198 : memref<1x16x1024xf32, #tpu.memory_space<vmem>> -> memref<16x1024xf32, #tpu.memory_space<vmem>>
        %dma_start3A_200 = arith.constant 0 : i32
        %dma_start3A_201 = tpu.memref_slice %arg2[%add3A_195, %dma_start3A_200] : memref<32768x1024xf32, #tpu.memory_space<hbm>> -> memref<16x1024xf32, #tpu.memory_space<hbm>>
        %dma_start3A_202 = tpu.memref_slice %arg9[%rem3A_137] : memref<6x!tpu.dma_semaphore, #tpu.memory_space<semaphore_mem>> -> memref<1x!tpu.dma_semaphore, #tpu.memory_space<semaphore_mem>>
        %dma_start3A_203 = tpu.memref_squeeze %dma_start3A_202 : memref<1x!tpu.dma_semaphore, #tpu.memory_space<semaphore_mem>> -> memref<!tpu.dma_semaphore, #tpu.memory_space<semaphore_mem>>
        %dma_start3A_204 = arith.constant 0 : i32
        %dma_start3A_205 = arith.constant 0 : i32
        %dma_start3A_206 = tpu.memref_slice %arg8[%rem3A_137, %dma_start3A_204, %dma_start3A_205] : memref<6x16x1024xf32, #tpu.memory_space<vmem>> -> memref<1x16x1024xf32, #tpu.memory_space<vmem>>
        %dma_start3A_207 = tpu.memref_squeeze %dma_start3A_206 : memref<1x16x1024xf32, #tpu.memory_space<vmem>> -> memref<16x1024xf32, #tpu.memory_space<vmem>>
        %dma_start3A_208 = arith.constant 0 : i32
        %dma_start3A_209 = tpu.memref_slice %arg2[%add3A_195, %dma_start3A_208] : memref<32768x1024xf32, #tpu.memory_space<hbm>> -> memref<16x1024xf32, #tpu.memory_space<hbm>>
        tpu.enqueue_dma source(%dma_start3A_209 : memref<16x1024xf32, #tpu.memory_space<hbm>>) target(%dma_start3A_207 : memref<16x1024xf32, #tpu.memory_space<vmem>>) target_semaphore(%dma_start3A_203 : memref<!tpu.dma_semaphore, #tpu.memory_space<semaphore_mem>>)
      } else {
      }
      %mul3A_148 = arith.constant 16 : i32
      %mul3A_149 = arith.muli %scan3A_132, %mul3A_148 : i32
      %add3A_150 = arith.addi %mul3A_2, %mul3A_149 : i32
      %dma_wait3A_151 = arith.constant 0 : i32
      %dma_wait3A_152 = arith.constant 0 : i32
      %dma_wait3A_153 = tpu.memref_slice %arg8[%rem3A_133, %dma_wait3A_151, %dma_wait3A_152] : memref<6x16x1024xf32, #tpu.memory_space<vmem>> -> memref<1x16x1024xf32, #tpu.memory_space<vmem>>
      %dma_wait3A_154 = tpu.memref_squeeze %dma_wait3A_153 : memref<1x16x1024xf32, #tpu.memory_space<vmem>> -> memref<16x1024xf32, #tpu.memory_space<vmem>>
      %dma_wait3A_155 = arith.constant 0 : i32
      %dma_wait3A_156 = tpu.memref_slice %arg2[%add3A_150, %dma_wait3A_155] : memref<32768x1024xf32, #tpu.memory_space<hbm>> -> memref<16x1024xf32, #tpu.memory_space<hbm>>
      %dma_wait3A_157 = tpu.memref_slice %arg9[%rem3A_133] : memref<6x!tpu.dma_semaphore, #tpu.memory_space<semaphore_mem>> -> memref<1x!tpu.dma_semaphore, #tpu.memory_space<semaphore_mem>>
      %dma_wait3A_158 = tpu.memref_squeeze %dma_wait3A_157 : memref<1x!tpu.dma_semaphore, #tpu.memory_space<semaphore_mem>> -> memref<!tpu.dma_semaphore, #tpu.memory_space<semaphore_mem>>
      %dma_wait3A_159 = arith.constant 0 : i32
      %dma_wait3A_160 = arith.constant 0 : i32
      %dma_wait3A_161 = tpu.memref_slice %arg8[%rem3A_133, %dma_wait3A_159, %dma_wait3A_160] : memref<6x16x1024xf32, #tpu.memory_space<vmem>> -> memref<1x16x1024xf32, #tpu.memory_space<vmem>>
      %dma_wait3A_162 = tpu.memref_squeeze %dma_wait3A_161 : memref<1x16x1024xf32, #tpu.memory_space<vmem>> -> memref<16x1024xf32, #tpu.memory_space<vmem>>
      %dma_wait3A_163 = arith.constant 0 : i32
      %dma_wait3A_164 = tpu.memref_slice %arg2[%add3A_150, %dma_wait3A_163] : memref<32768x1024xf32, #tpu.memory_space<hbm>> -> memref<16x1024xf32, #tpu.memory_space<hbm>>
      tpu.wait_dma2 semaphore(%dma_wait3A_158 : memref<!tpu.dma_semaphore, #tpu.memory_space<semaphore_mem>>) src(%dma_wait3A_164 : memref<16x1024xf32, #tpu.memory_space<hbm>>) dst(%dma_wait3A_162 : memref<16x1024xf32, #tpu.memory_space<vmem>>)
      %mul3A_165 = arith.constant 16 : i32
      %mul3A_166 = arith.muli %scan3A_132, %mul3A_165 : i32
      %add3A_167 = arith.addi %mul3A_2, %mul3A_166 : i32
      %scan3A_168 = arith.constant 0 : i32
      %scan3A_169 = arith.constant 0 : i32
      %scan3A_170 = arith.constant 16 : i32
      %scan3A_171 = arith.addi %scan3A_169, %scan3A_170 : i32
      %scan3A_172 = arith.constant 1 : i32
      scf.for %scan3A_191 = %scan3A_169 to %scan3A_171 step %scan3A_172  : i32 {
        %add3A_192 = arith.addi %add3A_167, %scan3A_191 : i32
        %broadcast_in_dim3A = vector.broadcast %add3A_192 : i32 to vector<16xi32>
        %le3A = arith.cmpi sle, %get3A_3, %broadcast_in_dim3A : vector<16xi32>
        %all_reduce_population_count3A = tpu.all_reduce %le3A {dim = 0 : i64, kind = #tpu.reduction_kind<sum>} : vector<16xi1> -> vector<16xi32>
        %gather3A_193 = tpu.vector_load_idx %arg6[%all_reduce_population_count3A] : memref<16xf32, #tpu.memory_space<vmem>>[vector<16xi32>], vector<16xf32>,
        %gather3A_194 = tpu.vector_load_idx %arg7[%all_reduce_population_count3A] : memref<16xf32, #tpu.memory_space<vmem>>[vector<16xi32>], vector<16xf32>,
        %get3A_195 = arith.constant 0 : i32
        %get3A_196 = arith.constant 0 : i32
        %get3A_197 = tpu.memref_slice %arg8[%rem3A_133, %get3A_195, %get3A_196] : memref<6x16x1024xf32, #tpu.memory_space<vmem>> -> memref<1x16x1024xf32, #tpu.memory_space<vmem>>
        %get3A_198 = tpu.memref_squeeze %get3A_197 : memref<1x16x1024xf32, #tpu.memory_space<vmem>> -> memref<16x1024xf32, #tpu.memory_space<vmem>>
        %get3A_199 = arith.index_cast %scan3A_191 : i32 to index
        %get3A_200 = arith.constant 0 : index
        %get3A_201 = tpu.vector_load %get3A_198[%get3A_199, %get3A_200] {strides = array<i32>} : memref<16x1024xf32, #tpu.memory_space<vmem>>, vector<16xf32>,
        %sub3A = arith.subf %get3A_201, %gather3A_193 : vector<16xf32>
        %mul3A_202 = arith.mulf %sub3A, %gather3A_194 : vector<16xf32>
        %swap3A_203 = arith.constant 0 : i32
        %swap3A_204 = arith.constant 0 : i32
        %swap3A_205 = tpu.memref_slice %arg8[%rem3A_133, %swap3A_203, %swap3A_204] : memref<6x16x1024xf32, #tpu.memory_space<vmem>> -> memref<1x16x1024xf32, #tpu.memory_space<vmem>>
        %swap3A_206 = tpu.memref_squeeze %swap3A_205 : memref<1x16x1024xf32, #tpu.memory_space<vmem>> -> memref<16x1024xf32, #tpu.memory_space<vmem>>
        %swap3A_207 = arith.index_cast %scan3A_191 : i32 to index
        %swap3A_208 = arith.constant 0 : index
        %swap3A_209 = tpu.vector_load %swap3A_206[%swap3A_207, %swap3A_208] {strides = array<i32>} : memref<16x1024xf32, #tpu.memory_space<vmem>>, vector<16xf32>,
        tpu.vector_store %swap3A_206[%swap3A_207, %swap3A_208], %mul3A_202 {strides = array<i32>} : memref<16x1024xf32, #tpu.memory_space<vmem>>, vector<16xf32>,
        %get3A_210 = arith.constant 0 : i32
        %get3A_211 = arith.constant 0 : i32
        %get3A_212 = tpu.memref_slice %arg8[%rem3A_133, %get3A_210, %get3A_211] : memref<6x16x1024xf32, #tpu.memory_space<vmem>> -> memref<1x16x1024xf32, #tpu.memory_space<vmem>>
        %get3A_213 = tpu.memref_squeeze %get3A_212 : memref<1x16x1024xf32, #tpu.memory_space<vmem>> -> memref<16x1024xf32, #tpu.memory_space<vmem>>
        %get3A_214 = arith.index_cast %scan3A_191 : i32 to index
        %get3A_215 = arith.constant 16 : index
        %get3A_216 = tpu.vector_load %get3A_213[%get3A_214, %get3A_215] {strides = array<i32>} : memref<16x1024xf32, #tpu.memory_space<vmem>>, vector<16xf32>,
        %sub3A_217 = arith.subf %get3A_216, %gather3A_193 : vector<16xf32>
        %mul3A_218 = arith.mulf %sub3A_217, %gather3A_194 : vector<16xf32>
        %swap3A_219 = arith.constant 0 : i32
        %swap3A_220 = arith.constant 0 : i32
        %swap3A_221 = tpu.memref_slice %arg8[%rem3A_133, %swap3A_219, %swap3A_220] : memref<6x16x1024xf32, #tpu.memory_space<vmem>> -> memref<1x16x1024xf32, #tpu.memory_space<vmem>>
        %swap3A_222 = tpu.memref_squeeze %swap3A_221 : memref<1x16x1024xf32, #tpu.memory_space<vmem>> -> memref<16x1024xf32, #tpu.memory_space<vmem>>
        %swap3A_223 = arith.index_cast %scan3A_191 : i32 to index
        %swap3A_224 = arith.constant 16 : index
        %swap3A_225 = tpu.vector_load %swap3A_222[%swap3A_223, %swap3A_224] {strides = array<i32>} : memref<16x1024xf32, #tpu.memory_space<vmem>>, vector<16xf32>,
        tpu.vector_store %swap3A_222[%swap3A_223, %swap3A_224], %mul3A_218 {strides = array<i32>} : memref<16x1024xf32, #tpu.memory_space<vmem>>, vector<16xf32>,
        %get3A_226 = arith.constant 0 : i32
        %get3A_227 = arith.constant 0 : i32
        %get3A_228 = tpu.memref_slice %arg8[%rem3A_133, %get3A_226, %get3A_227] : memref<6x16x1024xf32, #tpu.memory_space<vmem>> -> memref<1x16x1024xf32, #tpu.memory_space<vmem>>
        %get3A_229 = tpu.memref_squeeze %get3A_228 : memref<1x16x1024xf32, #tpu.memory_space<vmem>> -> memref<16x1024xf32, #tpu.memory_space<vmem>>
        %get3A_230 = arith.index_cast %scan3A_191 : i32 to index
        %get3A_231 = arith.constant 32 : index
        %get3A_232 = tpu.vector_load %get3A_229[%get3A_230, %get3A_231] {strides = array<i32>} : memref<16x1024xf32, #tpu.memory_space<vmem>>, vector<16xf32>,
        %sub3A_233 = arith.subf %get3A_232, %gather3A_193 : vector<16xf32>
        %mul3A_234 = arith.mulf %sub3A_233, %gather3A_194 : vector<16xf32>
        %swap3A_235 = arith.constant 0 : i32
        %swap3A_236 = arith.constant 0 : i32
        %swap3A_237 = tpu.memref_slice %arg8[%rem3A_133, %swap3A_235, %swap3A_236] : memref<6x16x1024xf32, #tpu.memory_space<vmem>> -> memref<1x16x1024xf32, #tpu.memory_space<vmem>>
        %swap3A_238 = tpu.memref_squeeze %swap3A_237 : memref<1x16x1024xf32, #tpu.memory_space<vmem>> -> memref<16x1024xf32, #tpu.memory_space<vmem>>
        %swap3A_239 = arith.index_cast %scan3A_191 : i32 to index
        %swap3A_240 = arith.constant 32 : index
        %swap3A_241 = tpu.vector_load %swap3A_238[%swap3A_239, %swap3A_240] {strides = array<i32>} : memref<16x1024xf32, #tpu.memory_space<vmem>>, vector<16xf32>,
        tpu.vector_store %swap3A_238[%swap3A_239, %swap3A_240], %mul3A_234 {strides = array<i32>} : memref<16x1024xf32, #tpu.memory_space<vmem>>, vector<16xf32>,
        %get3A_242 = arith.constant 0 : i32
        %get3A_243 = arith.constant 0 : i32
        %get3A_244 = tpu.memref_slice %arg8[%rem3A_133, %get3A_242, %get3A_243] : memref<6x16x1024xf32, #tpu.memory_space<vmem>> -> memref<1x16x1024xf32, #tpu.memory_space<vmem>>
        %get3A_245 = tpu.memref_squeeze %get3A_244 : memref<1x16x1024xf32, #tpu.memory_space<vmem>> -> memref<16x1024xf32, #tpu.memory_space<vmem>>
        %get3A_246 = arith.index_cast %scan3A_191 : i32 to index
        %get3A_247 = arith.constant 48 : index
        %get3A_248 = tpu.vector_load %get3A_245[%get3A_246, %get3A_247] {strides = array<i32>} : memref<16x1024xf32, #tpu.memory_space<vmem>>, vector<16xf32>,
        %sub3A_249 = arith.subf %get3A_248, %gather3A_193 : vector<16xf32>
        %mul3A_250 = arith.mulf %sub3A_249, %gather3A_194 : vector<16xf32>
        %swap3A_251 = arith.constant 0 : i32
        %swap3A_252 = arith.constant 0 : i32
        %swap3A_253 = tpu.memref_slice %arg8[%rem3A_133, %swap3A_251, %swap3A_252] : memref<6x16x1024xf32, #tpu.memory_space<vmem>> -> memref<1x16x1024xf32, #tpu.memory_space<vmem>>
        %swap3A_254 = tpu.memref_squeeze %swap3A_253 : memref<1x16x1024xf32, #tpu.memory_space<vmem>> -> memref<16x1024xf32, #tpu.memory_space<vmem>>
        %swap3A_255 = arith.index_cast %scan3A_191 : i32 to index
        %swap3A_256 = arith.constant 48 : index
        %swap3A_257 = tpu.vector_load %swap3A_254[%swap3A_255, %swap3A_256] {strides = array<i32>} : memref<16x1024xf32, #tpu.memory_space<vmem>>, vector<16xf32>,
        tpu.vector_store %swap3A_254[%swap3A_255, %swap3A_256], %mul3A_250 {strides = array<i32>} : memref<16x1024xf32, #tpu.memory_space<vmem>>, vector<16xf32>,
        %get3A_258 = arith.constant 0 : i32
        %get3A_259 = arith.constant 0 : i32
        %get3A_260 = tpu.memref_slice %arg8[%rem3A_133, %get3A_258, %get3A_259] : memref<6x16x1024xf32, #tpu.memory_space<vmem>> -> memref<1x16x1024xf32, #tpu.memory_space<vmem>>
        %get3A_261 = tpu.memref_squeeze %get3A_260 : memref<1x16x1024xf32, #tpu.memory_space<vmem>> -> memref<16x1024xf32, #tpu.memory_space<vmem>>
        %get3A_262 = arith.index_cast %scan3A_191 : i32 to index
        %get3A_263 = arith.constant 64 : index
        %get3A_264 = tpu.vector_load %get3A_261[%get3A_262, %get3A_263] {strides = array<i32>} : memref<16x1024xf32, #tpu.memory_space<vmem>>, vector<16xf32>,
        %sub3A_265 = arith.subf %get3A_264, %gather3A_193 : vector<16xf32>
        %mul3A_266 = arith.mulf %sub3A_265, %gather3A_194 : vector<16xf32>
        %swap3A_267 = arith.constant 0 : i32
        %swap3A_268 = arith.constant 0 : i32
        %swap3A_269 = tpu.memref_slice %arg8[%rem3A_133, %swap3A_267, %swap3A_268] : memref<6x16x1024xf32, #tpu.memory_space<vmem>> -> memref<1x16x1024xf32, #tpu.memory_space<vmem>>
        %swap3A_270 = tpu.memref_squeeze %swap3A_269 : memref<1x16x1024xf32, #tpu.memory_space<vmem>> -> memref<16x1024xf32, #tpu.memory_space<vmem>>
        %swap3A_271 = arith.index_cast %scan3A_191 : i32 to index
        %swap3A_272 = arith.constant 64 : index
        %swap3A_273 = tpu.vector_load %swap3A_270[%swap3A_271, %swap3A_272] {strides = array<i32>} : memref<16x1024xf32, #tpu.memory_space<vmem>>, vector<16xf32>,
        tpu.vector_store %swap3A_270[%swap3A_271, %swap3A_272], %mul3A_266 {strides = array<i32>} : memref<16x1024xf32, #tpu.memory_space<vmem>>, vector<16xf32>,
        %get3A_274 = arith.constant 0 : i32
        %get3A_275 = arith.constant 0 : i32
        %get3A_276 = tpu.memref_slice %arg8[%rem3A_133, %get3A_274, %get3A_275] : memref<6x16x1024xf32, #tpu.memory_space<vmem>> -> memref<1x16x1024xf32, #tpu.memory_space<vmem>>
        %get3A_277 = tpu.memref_squeeze %get3A_276 : memref<1x16x1024xf32, #tpu.memory_space<vmem>> -> memref<16x1024xf32, #tpu.memory_space<vmem>>
        %get3A_278 = arith.index_cast %scan3A_191 : i32 to index
        %get3A_279 = arith.constant 80 : index
        %get3A_280 = tpu.vector_load %get3A_277[%get3A_278, %get3A_279] {strides = array<i32>} : memref<16x1024xf32, #tpu.memory_space<vmem>>, vector<16xf32>,
        %sub3A_281 = arith.subf %get3A_280, %gather3A_193 : vector<16xf32>
        %mul3A_282 = arith.mulf %sub3A_281, %gather3A_194 : vector<16xf32>
        %swap3A_283 = arith.constant 0 : i32
        %swap3A_284 = arith.constant 0 : i32
        %swap3A_285 = tpu.memref_slice %arg8[%rem3A_133, %swap3A_283, %swap3A_284] : memref<6x16x1024xf32, #tpu.memory_space<vmem>> -> memref<1x16x1024xf32, #tpu.memory_space<vmem>>
        %swap3A_286 = tpu.memref_squeeze %swap3A_285 : memref<1x16x1024xf32, #tpu.memory_space<vmem>> -> memref<16x1024xf32, #tpu.memory_space<vmem>>
        %swap3A_287 = arith.index_cast %scan3A_191 : i32 to index
        %swap3A_288 = arith.constant 80 : index
        %swap3A_289 = tpu.vector_load %swap3A_286[%swap3A_287, %swap3A_288] {strides = array<i32>} : memref<16x1024xf32, #tpu.memory_space<vmem>>, vector<16xf32>,
        tpu.vector_store %swap3A_286[%swap3A_287, %swap3A_288], %mul3A_282 {strides = array<i32>} : memref<16x1024xf32, #tpu.memory_space<vmem>>, vector<16xf32>,
        %get3A_290 = arith.constant 0 : i32
        %get3A_291 = arith.constant 0 : i32
        %get3A_292 = tpu.memref_slice %arg8[%rem3A_133, %get3A_290, %get3A_291] : memref<6x16x1024xf32, #tpu.memory_space<vmem>> -> memref<1x16x1024xf32, #tpu.memory_space<vmem>>
        %get3A_293 = tpu.memref_squeeze %get3A_292 : memref<1x16x1024xf32, #tpu.memory_space<vmem>> -> memref<16x1024xf32, #tpu.memory_space<vmem>>
        %get3A_294 = arith.index_cast %scan3A_191 : i32 to index
        %get3A_295 = arith.constant 96 : index
        %get3A_296 = tpu.vector_load %get3A_293[%get3A_294, %get3A_295] {strides = array<i32>} : memref<16x1024xf32, #tpu.memory_space<vmem>>, vector<16xf32>,
        %sub3A_297 = arith.subf %get3A_296, %gather3A_193 : vector<16xf32>
        %mul3A_298 = arith.mulf %sub3A_297, %gather3A_194 : vector<16xf32>
        %swap3A_299 = arith.constant 0 : i32
        %swap3A_300 = arith.constant 0 : i32
        %swap3A_301 = tpu.memref_slice %arg8[%rem3A_133, %swap3A_299, %swap3A_300] : memref<6x16x1024xf32, #tpu.memory_space<vmem>> -> memref<1x16x1024xf32, #tpu.memory_space<vmem>>
        %swap3A_302 = tpu.memref_squeeze %swap3A_301 : memref<1x16x1024xf32, #tpu.memory_space<vmem>> -> memref<16x1024xf32, #tpu.memory_space<vmem>>
        %swap3A_303 = arith.index_cast %scan3A_191 : i32 to index
        %swap3A_304 = arith.constant 96 : index
        %swap3A_305 = tpu.vector_load %swap3A_302[%swap3A_303, %swap3A_304] {strides = array<i32>} : memref<16x1024xf32, #tpu.memory_space<vmem>>, vector<16xf32>,
        tpu.vector_store %swap3A_302[%swap3A_303, %swap3A_304], %mul3A_298 {strides = array<i32>} : memref<16x1024xf32, #tpu.memory_space<vmem>>, vector<16xf32>,
        %get3A_306 = arith.constant 0 : i32
        %get3A_307 = arith.constant 0 : i32
        %get3A_308 = tpu.memref_slice %arg8[%rem3A_133, %get3A_306, %get3A_307] : memref<6x16x1024xf32, #tpu.memory_space<vmem>> -> memref<1x16x1024xf32, #tpu.memory_space<vmem>>
        %get3A_309 = tpu.memref_squeeze %get3A_308 : memref<1x16x1024xf32, #tpu.memory_space<vmem>> -> memref<16x1024xf32, #tpu.memory_space<vmem>>
        %get3A_310 = arith.index_cast %scan3A_191 : i32 to index
        %get3A_311 = arith.constant 112 : index
        %get3A_312 = tpu.vector_load %get3A_309[%get3A_310, %get3A_311] {strides = array<i32>} : memref<16x1024xf32, #tpu.memory_space<vmem>>, vector<16xf32>,
        %sub3A_313 = arith.subf %get3A_312, %gather3A_193 : vector<16xf32>
        %mul3A_314 = arith.mulf %sub3A_313, %gather3A_194 : vector<16xf32>
        %swap3A_315 = arith.constant 0 : i32
        %swap3A_316 = arith.constant 0 : i32
        %swap3A_317 = tpu.memref_slice %arg8[%rem3A_133, %swap3A_315, %swap3A_316] : memref<6x16x1024xf32, #tpu.memory_space<vmem>> -> memref<1x16x1024xf32, #tpu.memory_space<vmem>>
        %swap3A_318 = tpu.memref_squeeze %swap3A_317 : memref<1x16x1024xf32, #tpu.memory_space<vmem>> -> memref<16x1024xf32, #tpu.memory_space<vmem>>
        %swap3A_319 = arith.index_cast %scan3A_191 : i32 to index
        %swap3A_320 = arith.constant 112 : index
        %swap3A_321 = tpu.vector_load %swap3A_318[%swap3A_319, %swap3A_320] {strides = array<i32>} : memref<16x1024xf32, #tpu.memory_space<vmem>>, vector<16xf32>,
        tpu.vector_store %swap3A_318[%swap3A_319, %swap3A_320], %mul3A_314 {strides = array<i32>} : memref<16x1024xf32, #tpu.memory_space<vmem>>, vector<16xf32>,
        %get3A_322 = arith.constant 0 : i32
        %get3A_323 = arith.constant 0 : i32
        %get3A_324 = tpu.memref_slice %arg8[%rem3A_133, %get3A_322, %get3A_323] : memref<6x16x1024xf32, #tpu.memory_space<vmem>> -> memref<1x16x1024xf32, #tpu.memory_space<vmem>>
        %get3A_325 = tpu.memref_squeeze %get3A_324 : memref<1x16x1024xf32, #tpu.memory_space<vmem>> -> memref<16x1024xf32, #tpu.memory_space<vmem>>
        %get3A_326 = arith.index_cast %scan3A_191 : i32 to index
        %get3A_327 = arith.constant 128 : index
        %get3A_328 = tpu.vector_load %get3A_325[%get3A_326, %get3A_327] {strides = array<i32>} : memref<16x1024xf32, #tpu.memory_space<vmem>>, vector<16xf32>,
        %sub3A_329 = arith.subf %get3A_328, %gather3A_193 : vector<16xf32>
        %mul3A_330 = arith.mulf %sub3A_329, %gather3A_194 : vector<16xf32>
        %swap3A_331 = arith.constant 0 : i32
        %swap3A_332 = arith.constant 0 : i32
        %swap3A_333 = tpu.memref_slice %arg8[%rem3A_133, %swap3A_331, %swap3A_332] : memref<6x16x1024xf32, #tpu.memory_space<vmem>> -> memref<1x16x1024xf32, #tpu.memory_space<vmem>>
        %swap3A_334 = tpu.memref_squeeze %swap3A_333 : memref<1x16x1024xf32, #tpu.memory_space<vmem>> -> memref<16x1024xf32, #tpu.memory_space<vmem>>
        %swap3A_335 = arith.index_cast %scan3A_191 : i32 to index
        %swap3A_336 = arith.constant 128 : index
        %swap3A_337 = tpu.vector_load %swap3A_334[%swap3A_335, %swap3A_336] {strides = array<i32>} : memref<16x1024xf32, #tpu.memory_space<vmem>>, vector<16xf32>,
        tpu.vector_store %swap3A_334[%swap3A_335, %swap3A_336], %mul3A_330 {strides = array<i32>} : memref<16x1024xf32, #tpu.memory_space<vmem>>, vector<16xf32>,
        %get3A_338 = arith.constant 0 : i32
        %get3A_339 = arith.constant 0 : i32
        %get3A_340 = tpu.memref_slice %arg8[%rem3A_133, %get3A_338, %get3A_339] : memref<6x16x1024xf32, #tpu.memory_space<vmem>> -> memref<1x16x1024xf32, #tpu.memory_space<vmem>>
        %get3A_341 = tpu.memref_squeeze %get3A_340 : memref<1x16x1024xf32, #tpu.memory_space<vmem>> -> memref<16x1024xf32, #tpu.memory_space<vmem>>
        %get3A_342 = arith.index_cast %scan3A_191 : i32 to index
        %get3A_343 = arith.constant 144 : index
        %get3A_344 = tpu.vector_load %get3A_341[%get3A_342, %get3A_343] {strides = array<i32>} : memref<16x1024xf32, #tpu.memory_space<vmem>>, vector<16xf32>,
        %sub3A_345 = arith.subf %get3A_344, %gather3A_193 : vector<16xf32>
        %mul3A_346 = arith.mulf %sub3A_345, %gather3A_194 : vector<16xf32>
        %swap3A_347 = arith.constant 0 : i32
        %swap3A_348 = arith.constant 0 : i32
        %swap3A_349 = tpu.memref_slice %arg8[%rem3A_133, %swap3A_347, %swap3A_348] : memref<6x16x1024xf32, #tpu.memory_space<vmem>> -> memref<1x16x1024xf32, #tpu.memory_space<vmem>>
        %swap3A_350 = tpu.memref_squeeze %swap3A_349 : memref<1x16x1024xf32, #tpu.memory_space<vmem>> -> memref<16x1024xf32, #tpu.memory_space<vmem>>
        %swap3A_351 = arith.index_cast %scan3A_191 : i32 to index
        %swap3A_352 = arith.constant 144 : index
        %swap3A_353 = tpu.vector_load %swap3A_350[%swap3A_351, %swap3A_352] {strides = array<i32>} : memref<16x1024xf32, #tpu.memory_space<vmem>>, vector<16xf32>,
        tpu.vector_store %swap3A_350[%swap3A_351, %swap3A_352], %mul3A_346 {strides = array<i32>} : memref<16x1024xf32, #tpu.memory_space<vmem>>, vector<16xf32>,
        %get3A_354 = arith.constant 0 : i32
        %get3A_355 = arith.constant 0 : i32
        %get3A_356 = tpu.memref_slice %arg8[%rem3A_133, %get3A_354, %get3A_355] : memref<6x16x1024xf32, #tpu.memory_space<vmem>> -> memref<1x16x1024xf32, #tpu.memory_space<vmem>>
        %get3A_357 = tpu.memref_squeeze %get3A_356 : memref<1x16x1024xf32, #tpu.memory_space<vmem>> -> memref<16x1024xf32, #tpu.memory_space<vmem>>
        %get3A_358 = arith.index_cast %scan3A_191 : i32 to index
        %get3A_359 = arith.constant 160 : index
        %get3A_360 = tpu.vector_load %get3A_357[%get3A_358, %get3A_359] {strides = array<i32>} : memref<16x1024xf32, #tpu.memory_space<vmem>>, vector<16xf32>,
        %sub3A_361 = arith.subf %get3A_360, %gather3A_193 : vector<16xf32>
        %mul3A_362 = arith.mulf %sub3A_361, %gather3A_194 : vector<16xf32>
        %swap3A_363 = arith.constant 0 : i32
        %swap3A_364 = arith.constant 0 : i32
        %swap3A_365 = tpu.memref_slice %arg8[%rem3A_133, %swap3A_363, %swap3A_364] : memref<6x16x1024xf32, #tpu.memory_space<vmem>> -> memref<1x16x1024xf32, #tpu.memory_space<vmem>>
        %swap3A_366 = tpu.memref_squeeze %swap3A_365 : memref<1x16x1024xf32, #tpu.memory_space<vmem>> -> memref<16x1024xf32, #tpu.memory_space<vmem>>
        %swap3A_367 = arith.index_cast %scan3A_191 : i32 to index
        %swap3A_368 = arith.constant 160 : index
        %swap3A_369 = tpu.vector_load %swap3A_366[%swap3A_367, %swap3A_368] {strides = array<i32>} : memref<16x1024xf32, #tpu.memory_space<vmem>>, vector<16xf32>,
        tpu.vector_store %swap3A_366[%swap3A_367, %swap3A_368], %mul3A_362 {strides = array<i32>} : memref<16x1024xf32, #tpu.memory_space<vmem>>, vector<16xf32>,
        %get3A_370 = arith.constant 0 : i32
        %get3A_371 = arith.constant 0 : i32
        %get3A_372 = tpu.memref_slice %arg8[%rem3A_133, %get3A_370, %get3A_371] : memref<6x16x1024xf32, #tpu.memory_space<vmem>> -> memref<1x16x1024xf32, #tpu.memory_space<vmem>>
        %get3A_373 = tpu.memref_squeeze %get3A_372 : memref<1x16x1024xf32, #tpu.memory_space<vmem>> -> memref<16x1024xf32, #tpu.memory_space<vmem>>
        %get3A_374 = arith.index_cast %scan3A_191 : i32 to index
        %get3A_375 = arith.constant 176 : index
        %get3A_376 = tpu.vector_load %get3A_373[%get3A_374, %get3A_375] {strides = array<i32>} : memref<16x1024xf32, #tpu.memory_space<vmem>>, vector<16xf32>,
        %sub3A_377 = arith.subf %get3A_376, %gather3A_193 : vector<16xf32>
        %mul3A_378 = arith.mulf %sub3A_377, %gather3A_194 : vector<16xf32>
        %swap3A_379 = arith.constant 0 : i32
        %swap3A_380 = arith.constant 0 : i32
        %swap3A_381 = tpu.memref_slice %arg8[%rem3A_133, %swap3A_379, %swap3A_380] : memref<6x16x1024xf32, #tpu.memory_space<vmem>> -> memref<1x16x1024xf32, #tpu.memory_space<vmem>>
        %swap3A_382 = tpu.memref_squeeze %swap3A_381 : memref<1x16x1024xf32, #tpu.memory_space<vmem>> -> memref<16x1024xf32, #tpu.memory_space<vmem>>
        %swap3A_383 = arith.index_cast %scan3A_191 : i32 to index
        %swap3A_384 = arith.constant 176 : index
        %swap3A_385 = tpu.vector_load %swap3A_382[%swap3A_383, %swap3A_384] {strides = array<i32>} : memref<16x1024xf32, #tpu.memory_space<vmem>>, vector<16xf32>,
        tpu.vector_store %swap3A_382[%swap3A_383, %swap3A_384], %mul3A_378 {strides = array<i32>} : memref<16x1024xf32, #tpu.memory_space<vmem>>, vector<16xf32>,
        %get3A_386 = arith.constant 0 : i32
        %get3A_387 = arith.constant 0 : i32
        %get3A_388 = tpu.memref_slice %arg8[%rem3A_133, %get3A_386, %get3A_387] : memref<6x16x1024xf32, #tpu.memory_space<vmem>> -> memref<1x16x1024xf32, #tpu.memory_space<vmem>>
        %get3A_389 = tpu.memref_squeeze %get3A_388 : memref<1x16x1024xf32, #tpu.memory_space<vmem>> -> memref<16x1024xf32, #tpu.memory_space<vmem>>
        %get3A_390 = arith.index_cast %scan3A_191 : i32 to index
        %get3A_391 = arith.constant 192 : index
        %get3A_392 = tpu.vector_load %get3A_389[%get3A_390, %get3A_391] {strides = array<i32>} : memref<16x1024xf32, #tpu.memory_space<vmem>>, vector<16xf32>,
        %sub3A_393 = arith.subf %get3A_392, %gather3A_193 : vector<16xf32>
        %mul3A_394 = arith.mulf %sub3A_393, %gather3A_194 : vector<16xf32>
        %swap3A_395 = arith.constant 0 : i32
        %swap3A_396 = arith.constant 0 : i32
        %swap3A_397 = tpu.memref_slice %arg8[%rem3A_133, %swap3A_395, %swap3A_396] : memref<6x16x1024xf32, #tpu.memory_space<vmem>> -> memref<1x16x1024xf32, #tpu.memory_space<vmem>>
        %swap3A_398 = tpu.memref_squeeze %swap3A_397 : memref<1x16x1024xf32, #tpu.memory_space<vmem>> -> memref<16x1024xf32, #tpu.memory_space<vmem>>
        %swap3A_399 = arith.index_cast %scan3A_191 : i32 to index
        %swap3A_400 = arith.constant 192 : index
        %swap3A_401 = tpu.vector_load %swap3A_398[%swap3A_399, %swap3A_400] {strides = array<i32>} : memref<16x1024xf32, #tpu.memory_space<vmem>>, vector<16xf32>,
        tpu.vector_store %swap3A_398[%swap3A_399, %swap3A_400], %mul3A_394 {strides = array<i32>} : memref<16x1024xf32, #tpu.memory_space<vmem>>, vector<16xf32>,
        %get3A_402 = arith.constant 0 : i32
        %get3A_403 = arith.constant 0 : i32
        %get3A_404 = tpu.memref_slice %arg8[%rem3A_133, %get3A_402, %get3A_403] : memref<6x16x1024xf32, #tpu.memory_space<vmem>> -> memref<1x16x1024xf32, #tpu.memory_space<vmem>>
        %get3A_405 = tpu.memref_squeeze %get3A_404 : memref<1x16x1024xf32, #tpu.memory_space<vmem>> -> memref<16x1024xf32, #tpu.memory_space<vmem>>
        %get3A_406 = arith.index_cast %scan3A_191 : i32 to index
        %get3A_407 = arith.constant 208 : index
        %get3A_408 = tpu.vector_load %get3A_405[%get3A_406, %get3A_407] {strides = array<i32>} : memref<16x1024xf32, #tpu.memory_space<vmem>>, vector<16xf32>,
        %sub3A_409 = arith.subf %get3A_408, %gather3A_193 : vector<16xf32>
        %mul3A_410 = arith.mulf %sub3A_409, %gather3A_194 : vector<16xf32>
        %swap3A_411 = arith.constant 0 : i32
        %swap3A_412 = arith.constant 0 : i32
        %swap3A_413 = tpu.memref_slice %arg8[%rem3A_133, %swap3A_411, %swap3A_412] : memref<6x16x1024xf32, #tpu.memory_space<vmem>> -> memref<1x16x1024xf32, #tpu.memory_space<vmem>>
        %swap3A_414 = tpu.memref_squeeze %swap3A_413 : memref<1x16x1024xf32, #tpu.memory_space<vmem>> -> memref<16x1024xf32, #tpu.memory_space<vmem>>
        %swap3A_415 = arith.index_cast %scan3A_191 : i32 to index
        %swap3A_416 = arith.constant 208 : index
        %swap3A_417 = tpu.vector_load %swap3A_414[%swap3A_415, %swap3A_416] {strides = array<i32>} : memref<16x1024xf32, #tpu.memory_space<vmem>>, vector<16xf32>,
        tpu.vector_store %swap3A_414[%swap3A_415, %swap3A_416], %mul3A_410 {strides = array<i32>} : memref<16x1024xf32, #tpu.memory_space<vmem>>, vector<16xf32>,
        %get3A_418 = arith.constant 0 : i32
        %get3A_419 = arith.constant 0 : i32
        %get3A_420 = tpu.memref_slice %arg8[%rem3A_133, %get3A_418, %get3A_419] : memref<6x16x1024xf32, #tpu.memory_space<vmem>> -> memref<1x16x1024xf32, #tpu.memory_space<vmem>>
        %get3A_421 = tpu.memref_squeeze %get3A_420 : memref<1x16x1024xf32, #tpu.memory_space<vmem>> -> memref<16x1024xf32, #tpu.memory_space<vmem>>
        %get3A_422 = arith.index_cast %scan3A_191 : i32 to index
        %get3A_423 = arith.constant 224 : index
        %get3A_424 = tpu.vector_load %get3A_421[%get3A_422, %get3A_423] {strides = array<i32>} : memref<16x1024xf32, #tpu.memory_space<vmem>>, vector<16xf32>,
        %sub3A_425 = arith.subf %get3A_424, %gather3A_193 : vector<16xf32>
        %mul3A_426 = arith.mulf %sub3A_425, %gather3A_194 : vector<16xf32>
        %swap3A_427 = arith.constant 0 : i32
        %swap3A_428 = arith.constant 0 : i32
        %swap3A_429 = tpu.memref_slice %arg8[%rem3A_133, %swap3A_427, %swap3A_428] : memref<6x16x1024xf32, #tpu.memory_space<vmem>> -> memref<1x16x1024xf32, #tpu.memory_space<vmem>>
        %swap3A_430 = tpu.memref_squeeze %swap3A_429 : memref<1x16x1024xf32, #tpu.memory_space<vmem>> -> memref<16x1024xf32, #tpu.memory_space<vmem>>
        %swap3A_431 = arith.index_cast %scan3A_191 : i32 to index
        %swap3A_432 = arith.constant 224 : index
        %swap3A_433 = tpu.vector_load %swap3A_430[%swap3A_431, %swap3A_432] {strides = array<i32>} : memref<16x1024xf32, #tpu.memory_space<vmem>>, vector<16xf32>,
        tpu.vector_store %swap3A_430[%swap3A_431, %swap3A_432], %mul3A_426 {strides = array<i32>} : memref<16x1024xf32, #tpu.memory_space<vmem>>, vector<16xf32>,
        %get3A_434 = arith.constant 0 : i32
        %get3A_435 = arith.constant 0 : i32
        %get3A_436 = tpu.memref_slice %arg8[%rem3A_133, %get3A_434, %get3A_435] : memref<6x16x1024xf32, #tpu.memory_space<vmem>> -> memref<1x16x1024xf32, #tpu.memory_space<vmem>>
        %get3A_437 = tpu.memref_squeeze %get3A_436 : memref<1x16x1024xf32, #tpu.memory_space<vmem>> -> memref<16x1024xf32, #tpu.memory_space<vmem>>
        %get3A_438 = arith.index_cast %scan3A_191 : i32 to index
        %get3A_439 = arith.constant 240 : index
        %get3A_440 = tpu.vector_load %get3A_437[%get3A_438, %get3A_439] {strides = array<i32>} : memref<16x1024xf32, #tpu.memory_space<vmem>>, vector<16xf32>,
        %sub3A_441 = arith.subf %get3A_440, %gather3A_193 : vector<16xf32>
        %mul3A_442 = arith.mulf %sub3A_441, %gather3A_194 : vector<16xf32>
        %swap3A_443 = arith.constant 0 : i32
        %swap3A_444 = arith.constant 0 : i32
        %swap3A_445 = tpu.memref_slice %arg8[%rem3A_133, %swap3A_443, %swap3A_444] : memref<6x16x1024xf32, #tpu.memory_space<vmem>> -> memref<1x16x1024xf32, #tpu.memory_space<vmem>>
        %swap3A_446 = tpu.memref_squeeze %swap3A_445 : memref<1x16x1024xf32, #tpu.memory_space<vmem>> -> memref<16x1024xf32, #tpu.memory_space<vmem>>
        %swap3A_447 = arith.index_cast %scan3A_191 : i32 to index
        %swap3A_448 = arith.constant 240 : index
        %swap3A_449 = tpu.vector_load %swap3A_446[%swap3A_447, %swap3A_448] {strides = array<i32>} : memref<16x1024xf32, #tpu.memory_space<vmem>>, vector<16xf32>,
        tpu.vector_store %swap3A_446[%swap3A_447, %swap3A_448], %mul3A_442 {strides = array<i32>} : memref<16x1024xf32, #tpu.memory_space<vmem>>, vector<16xf32>,
        %get3A_450 = arith.constant 0 : i32
        %get3A_451 = arith.constant 0 : i32
        %get3A_452 = tpu.memref_slice %arg8[%rem3A_133, %get3A_450, %get3A_451] : memref<6x16x1024xf32, #tpu.memory_space<vmem>> -> memref<1x16x1024xf32, #tpu.memory_space<vmem>>
        %get3A_453 = tpu.memref_squeeze %get3A_452 : memref<1x16x1024xf32, #tpu.memory_space<vmem>> -> memref<16x1024xf32, #tpu.memory_space<vmem>>
        %get3A_454 = arith.index_cast %scan3A_191 : i32 to index
        %get3A_455 = arith.constant 256 : index
        %get3A_456 = tpu.vector_load %get3A_453[%get3A_454, %get3A_455] {strides = array<i32>} : memref<16x1024xf32, #tpu.memory_space<vmem>>, vector<16xf32>,
        %sub3A_457 = arith.subf %get3A_456, %gather3A_193 : vector<16xf32>
        %mul3A_458 = arith.mulf %sub3A_457, %gather3A_194 : vector<16xf32>
        %swap3A_459 = arith.constant 0 : i32
        %swap3A_460 = arith.constant 0 : i32
        %swap3A_461 = tpu.memref_slice %arg8[%rem3A_133, %swap3A_459, %swap3A_460] : memref<6x16x1024xf32, #tpu.memory_space<vmem>> -> memref<1x16x1024xf32, #tpu.memory_space<vmem>>
        %swap3A_462 = tpu.memref_squeeze %swap3A_461 : memref<1x16x1024xf32, #tpu.memory_space<vmem>> -> memref<16x1024xf32, #tpu.memory_space<vmem>>
        %swap3A_463 = arith.index_cast %scan3A_191 : i32 to index
        %swap3A_464 = arith.constant 256 : index
        %swap3A_465 = tpu.vector_load %swap3A_462[%swap3A_463, %swap3A_464] {strides = array<i32>} : memref<16x1024xf32, #tpu.memory_space<vmem>>, vector<16xf32>,
        tpu.vector_store %swap3A_462[%swap3A_463, %swap3A_464], %mul3A_458 {strides = array<i32>} : memref<16x1024xf32, #tpu.memory_space<vmem>>, vector<16xf32>,
        %get3A_466 = arith.constant 0 : i32
        %get3A_467 = arith.constant 0 : i32
        %get3A_468 = tpu.memref_slice %arg8[%rem3A_133, %get3A_466, %get3A_467] : memref<6x16x1024xf32, #tpu.memory_space<vmem>> -> memref<1x16x1024xf32, #tpu.memory_space<vmem>>
        %get3A_469 = tpu.memref_squeeze %get3A_468 : memref<1x16x1024xf32, #tpu.memory_space<vmem>> -> memref<16x1024xf32, #tpu.memory_space<vmem>>
        %get3A_470 = arith.index_cast %scan3A_191 : i32 to index
        %get3A_471 = arith.constant 272 : index
        %get3A_472 = tpu.vector_load %get3A_469[%get3A_470, %get3A_471] {strides = array<i32>} : memref<16x1024xf32, #tpu.memory_space<vmem>>, vector<16xf32>,
        %sub3A_473 = arith.subf %get3A_472, %gather3A_193 : vector<16xf32>
        %mul3A_474 = arith.mulf %sub3A_473, %gather3A_194 : vector<16xf32>
        %swap3A_475 = arith.constant 0 : i32
        %swap3A_476 = arith.constant 0 : i32
        %swap3A_477 = tpu.memref_slice %arg8[%rem3A_133, %swap3A_475, %swap3A_476] : memref<6x16x1024xf32, #tpu.memory_space<vmem>> -> memref<1x16x1024xf32, #tpu.memory_space<vmem>>
        %swap3A_478 = tpu.memref_squeeze %swap3A_477 : memref<1x16x1024xf32, #tpu.memory_space<vmem>> -> memref<16x1024xf32, #tpu.memory_space<vmem>>
        %swap3A_479 = arith.index_cast %scan3A_191 : i32 to index
        %swap3A_480 = arith.constant 272 : index
        %swap3A_481 = tpu.vector_load %swap3A_478[%swap3A_479, %swap3A_480] {strides = array<i32>} : memref<16x1024xf32, #tpu.memory_space<vmem>>, vector<16xf32>,
        tpu.vector_store %swap3A_478[%swap3A_479, %swap3A_480], %mul3A_474 {strides = array<i32>} : memref<16x1024xf32, #tpu.memory_space<vmem>>, vector<16xf32>,
        %get3A_482 = arith.constant 0 : i32
        %get3A_483 = arith.constant 0 : i32
        %get3A_484 = tpu.memref_slice %arg8[%rem3A_133, %get3A_482, %get3A_483] : memref<6x16x1024xf32, #tpu.memory_space<vmem>> -> memref<1x16x1024xf32, #tpu.memory_space<vmem>>
        %get3A_485 = tpu.memref_squeeze %get3A_484 : memref<1x16x1024xf32, #tpu.memory_space<vmem>> -> memref<16x1024xf32, #tpu.memory_space<vmem>>
        %get3A_486 = arith.index_cast %scan3A_191 : i32 to index
        %get3A_487 = arith.constant 288 : index
        %get3A_488 = tpu.vector_load %get3A_485[%get3A_486, %get3A_487] {strides = array<i32>} : memref<16x1024xf32, #tpu.memory_space<vmem>>, vector<16xf32>,
        %sub3A_489 = arith.subf %get3A_488, %gather3A_193 : vector<16xf32>
        %mul3A_490 = arith.mulf %sub3A_489, %gather3A_194 : vector<16xf32>
        %swap3A_491 = arith.constant 0 : i32
        %swap3A_492 = arith.constant 0 : i32
        %swap3A_493 = tpu.memref_slice %arg8[%rem3A_133, %swap3A_491, %swap3A_492] : memref<6x16x1024xf32, #tpu.memory_space<vmem>> -> memref<1x16x1024xf32, #tpu.memory_space<vmem>>
        %swap3A_494 = tpu.memref_squeeze %swap3A_493 : memref<1x16x1024xf32, #tpu.memory_space<vmem>> -> memref<16x1024xf32, #tpu.memory_space<vmem>>
        %swap3A_495 = arith.index_cast %scan3A_191 : i32 to index
        %swap3A_496 = arith.constant 288 : index
        %swap3A_497 = tpu.vector_load %swap3A_494[%swap3A_495, %swap3A_496] {strides = array<i32>} : memref<16x1024xf32, #tpu.memory_space<vmem>>, vector<16xf32>,
        tpu.vector_store %swap3A_494[%swap3A_495, %swap3A_496], %mul3A_490 {strides = array<i32>} : memref<16x1024xf32, #tpu.memory_space<vmem>>, vector<16xf32>,
        %get3A_498 = arith.constant 0 : i32
        %get3A_499 = arith.constant 0 : i32
        %get3A_500 = tpu.memref_slice %arg8[%rem3A_133, %get3A_498, %get3A_499] : memref<6x16x1024xf32, #tpu.memory_space<vmem>> -> memref<1x16x1024xf32, #tpu.memory_space<vmem>>
        %get3A_501 = tpu.memref_squeeze %get3A_500 : memref<1x16x1024xf32, #tpu.memory_space<vmem>> -> memref<16x1024xf32, #tpu.memory_space<vmem>>
        %get3A_502 = arith.index_cast %scan3A_191 : i32 to index
        %get3A_503 = arith.constant 304 : index
        %get3A_504 = tpu.vector_load %get3A_501[%get3A_502, %get3A_503] {strides = array<i32>} : memref<16x1024xf32, #tpu.memory_space<vmem>>, vector<16xf32>,
        %sub3A_505 = arith.subf %get3A_504, %gather3A_193 : vector<16xf32>
        %mul3A_506 = arith.mulf %sub3A_505, %gather3A_194 : vector<16xf32>
        %swap3A_507 = arith.constant 0 : i32
        %swap3A_508 = arith.constant 0 : i32
        %swap3A_509 = tpu.memref_slice %arg8[%rem3A_133, %swap3A_507, %swap3A_508] : memref<6x16x1024xf32, #tpu.memory_space<vmem>> -> memref<1x16x1024xf32, #tpu.memory_space<vmem>>
        %swap3A_510 = tpu.memref_squeeze %swap3A_509 : memref<1x16x1024xf32, #tpu.memory_space<vmem>> -> memref<16x1024xf32, #tpu.memory_space<vmem>>
        %swap3A_511 = arith.index_cast %scan3A_191 : i32 to index
        %swap3A_512 = arith.constant 304 : index
        %swap3A_513 = tpu.vector_load %swap3A_510[%swap3A_511, %swap3A_512] {strides = array<i32>} : memref<16x1024xf32, #tpu.memory_space<vmem>>, vector<16xf32>,
        tpu.vector_store %swap3A_510[%swap3A_511, %swap3A_512], %mul3A_506 {strides = array<i32>} : memref<16x1024xf32, #tpu.memory_space<vmem>>, vector<16xf32>,
        %get3A_514 = arith.constant 0 : i32
        %get3A_515 = arith.constant 0 : i32
        %get3A_516 = tpu.memref_slice %arg8[%rem3A_133, %get3A_514, %get3A_515] : memref<6x16x1024xf32, #tpu.memory_space<vmem>> -> memref<1x16x1024xf32, #tpu.memory_space<vmem>>
        %get3A_517 = tpu.memref_squeeze %get3A_516 : memref<1x16x1024xf32, #tpu.memory_space<vmem>> -> memref<16x1024xf32, #tpu.memory_space<vmem>>
        %get3A_518 = arith.index_cast %scan3A_191 : i32 to index
        %get3A_519 = arith.constant 320 : index
        %get3A_520 = tpu.vector_load %get3A_517[%get3A_518, %get3A_519] {strides = array<i32>} : memref<16x1024xf32, #tpu.memory_space<vmem>>, vector<16xf32>,
        %sub3A_521 = arith.subf %get3A_520, %gather3A_193 : vector<16xf32>
        %mul3A_522 = arith.mulf %sub3A_521, %gather3A_194 : vector<16xf32>
        %swap3A_523 = arith.constant 0 : i32
        %swap3A_524 = arith.constant 0 : i32
        %swap3A_525 = tpu.memref_slice %arg8[%rem3A_133, %swap3A_523, %swap3A_524] : memref<6x16x1024xf32, #tpu.memory_space<vmem>> -> memref<1x16x1024xf32, #tpu.memory_space<vmem>>
        %swap3A_526 = tpu.memref_squeeze %swap3A_525 : memref<1x16x1024xf32, #tpu.memory_space<vmem>> -> memref<16x1024xf32, #tpu.memory_space<vmem>>
        %swap3A_527 = arith.index_cast %scan3A_191 : i32 to index
        %swap3A_528 = arith.constant 320 : index
        %swap3A_529 = tpu.vector_load %swap3A_526[%swap3A_527, %swap3A_528] {strides = array<i32>} : memref<16x1024xf32, #tpu.memory_space<vmem>>, vector<16xf32>,
        tpu.vector_store %swap3A_526[%swap3A_527, %swap3A_528], %mul3A_522 {strides = array<i32>} : memref<16x1024xf32, #tpu.memory_space<vmem>>, vector<16xf32>,
        %get3A_530 = arith.constant 0 : i32
        %get3A_531 = arith.constant 0 : i32
        %get3A_532 = tpu.memref_slice %arg8[%rem3A_133, %get3A_530, %get3A_531] : memref<6x16x1024xf32, #tpu.memory_space<vmem>> -> memref<1x16x1024xf32, #tpu.memory_space<vmem>>
        %get3A_533 = tpu.memref_squeeze %get3A_532 : memref<1x16x1024xf32, #tpu.memory_space<vmem>> -> memref<16x1024xf32, #tpu.memory_space<vmem>>
        %get3A_534 = arith.index_cast %scan3A_191 : i32 to index
        %get3A_535 = arith.constant 336 : index
        %get3A_536 = tpu.vector_load %get3A_533[%get3A_534, %get3A_535] {strides = array<i32>} : memref<16x1024xf32, #tpu.memory_space<vmem>>, vector<16xf32>,
        %sub3A_537 = arith.subf %get3A_536, %gather3A_193 : vector<16xf32>
        %mul3A_538 = arith.mulf %sub3A_537, %gather3A_194 : vector<16xf32>
        %swap3A_539 = arith.constant 0 : i32
        %swap3A_540 = arith.constant 0 : i32
        %swap3A_541 = tpu.memref_slice %arg8[%rem3A_133, %swap3A_539, %swap3A_540] : memref<6x16x1024xf32, #tpu.memory_space<vmem>> -> memref<1x16x1024xf32, #tpu.memory_space<vmem>>
        %swap3A_542 = tpu.memref_squeeze %swap3A_541 : memref<1x16x1024xf32, #tpu.memory_space<vmem>> -> memref<16x1024xf32, #tpu.memory_space<vmem>>
        %swap3A_543 = arith.index_cast %scan3A_191 : i32 to index
        %swap3A_544 = arith.constant 336 : index
        %swap3A_545 = tpu.vector_load %swap3A_542[%swap3A_543, %swap3A_544] {strides = array<i32>} : memref<16x1024xf32, #tpu.memory_space<vmem>>, vector<16xf32>,
        tpu.vector_store %swap3A_542[%swap3A_543, %swap3A_544], %mul3A_538 {strides = array<i32>} : memref<16x1024xf32, #tpu.memory_space<vmem>>, vector<16xf32>,
        %get3A_546 = arith.constant 0 : i32
        %get3A_547 = arith.constant 0 : i32
        %get3A_548 = tpu.memref_slice %arg8[%rem3A_133, %get3A_546, %get3A_547] : memref<6x16x1024xf32, #tpu.memory_space<vmem>> -> memref<1x16x1024xf32, #tpu.memory_space<vmem>>
        %get3A_549 = tpu.memref_squeeze %get3A_548 : memref<1x16x1024xf32, #tpu.memory_space<vmem>> -> memref<16x1024xf32, #tpu.memory_space<vmem>>
        %get3A_550 = arith.index_cast %scan3A_191 : i32 to index
        %get3A_551 = arith.constant 352 : index
        %get3A_552 = tpu.vector_load %get3A_549[%get3A_550, %get3A_551] {strides = array<i32>} : memref<16x1024xf32, #tpu.memory_space<vmem>>, vector<16xf32>,
        %sub3A_553 = arith.subf %get3A_552, %gather3A_193 : vector<16xf32>
        %mul3A_554 = arith.mulf %sub3A_553, %gather3A_194 : vector<16xf32>
        %swap3A_555 = arith.constant 0 : i32
        %swap3A_556 = arith.constant 0 : i32
        %swap3A_557 = tpu.memref_slice %arg8[%rem3A_133, %swap3A_555, %swap3A_556] : memref<6x16x1024xf32, #tpu.memory_space<vmem>> -> memref<1x16x1024xf32, #tpu.memory_space<vmem>>
        %swap3A_558 = tpu.memref_squeeze %swap3A_557 : memref<1x16x1024xf32, #tpu.memory_space<vmem>> -> memref<16x1024xf32, #tpu.memory_space<vmem>>
        %swap3A_559 = arith.index_cast %scan3A_191 : i32 to index
        %swap3A_560 = arith.constant 352 : index
        %swap3A_561 = tpu.vector_load %swap3A_558[%swap3A_559, %swap3A_560] {strides = array<i32>} : memref<16x1024xf32, #tpu.memory_space<vmem>>, vector<16xf32>,
        tpu.vector_store %swap3A_558[%swap3A_559, %swap3A_560], %mul3A_554 {strides = array<i32>} : memref<16x1024xf32, #tpu.memory_space<vmem>>, vector<16xf32>,
        %get3A_562 = arith.constant 0 : i32
        %get3A_563 = arith.constant 0 : i32
        %get3A_564 = tpu.memref_slice %arg8[%rem3A_133, %get3A_562, %get3A_563] : memref<6x16x1024xf32, #tpu.memory_space<vmem>> -> memref<1x16x1024xf32, #tpu.memory_space<vmem>>
        %get3A_565 = tpu.memref_squeeze %get3A_564 : memref<1x16x1024xf32, #tpu.memory_space<vmem>> -> memref<16x1024xf32, #tpu.memory_space<vmem>>
        %get3A_566 = arith.index_cast %scan3A_191 : i32 to index
        %get3A_567 = arith.constant 368 : index
        %get3A_568 = tpu.vector_load %get3A_565[%get3A_566, %get3A_567] {strides = array<i32>} : memref<16x1024xf32, #tpu.memory_space<vmem>>, vector<16xf32>,
        %sub3A_569 = arith.subf %get3A_568, %gather3A_193 : vector<16xf32>
        %mul3A_570 = arith.mulf %sub3A_569, %gather3A_194 : vector<16xf32>
        %swap3A_571 = arith.constant 0 : i32
        %swap3A_572 = arith.constant 0 : i32
        %swap3A_573 = tpu.memref_slice %arg8[%rem3A_133, %swap3A_571, %swap3A_572] : memref<6x16x1024xf32, #tpu.memory_space<vmem>> -> memref<1x16x1024xf32, #tpu.memory_space<vmem>>
        %swap3A_574 = tpu.memref_squeeze %swap3A_573 : memref<1x16x1024xf32, #tpu.memory_space<vmem>> -> memref<16x1024xf32, #tpu.memory_space<vmem>>
        %swap3A_575 = arith.index_cast %scan3A_191 : i32 to index
        %swap3A_576 = arith.constant 368 : index
        %swap3A_577 = tpu.vector_load %swap3A_574[%swap3A_575, %swap3A_576] {strides = array<i32>} : memref<16x1024xf32, #tpu.memory_space<vmem>>, vector<16xf32>,
        tpu.vector_store %swap3A_574[%swap3A_575, %swap3A_576], %mul3A_570 {strides = array<i32>} : memref<16x1024xf32, #tpu.memory_space<vmem>>, vector<16xf32>,
        %get3A_578 = arith.constant 0 : i32
        %get3A_579 = arith.constant 0 : i32
        %get3A_580 = tpu.memref_slice %arg8[%rem3A_133, %get3A_578, %get3A_579] : memref<6x16x1024xf32, #tpu.memory_space<vmem>> -> memref<1x16x1024xf32, #tpu.memory_space<vmem>>
        %get3A_581 = tpu.memref_squeeze %get3A_580 : memref<1x16x1024xf32, #tpu.memory_space<vmem>> -> memref<16x1024xf32, #tpu.memory_space<vmem>>
        %get3A_582 = arith.index_cast %scan3A_191 : i32 to index
        %get3A_583 = arith.constant 384 : index
        %get3A_584 = tpu.vector_load %get3A_581[%get3A_582, %get3A_583] {strides = array<i32>} : memref<16x1024xf32, #tpu.memory_space<vmem>>, vector<16xf32>,
        %sub3A_585 = arith.subf %get3A_584, %gather3A_193 : vector<16xf32>
        %mul3A_586 = arith.mulf %sub3A_585, %gather3A_194 : vector<16xf32>
        %swap3A_587 = arith.constant 0 : i32
        %swap3A_588 = arith.constant 0 : i32
        %swap3A_589 = tpu.memref_slice %arg8[%rem3A_133, %swap3A_587, %swap3A_588] : memref<6x16x1024xf32, #tpu.memory_space<vmem>> -> memref<1x16x1024xf32, #tpu.memory_space<vmem>>
        %swap3A_590 = tpu.memref_squeeze %swap3A_589 : memref<1x16x1024xf32, #tpu.memory_space<vmem>> -> memref<16x1024xf32, #tpu.memory_space<vmem>>
        %swap3A_591 = arith.index_cast %scan3A_191 : i32 to index
        %swap3A_592 = arith.constant 384 : index
        %swap3A_593 = tpu.vector_load %swap3A_590[%swap3A_591, %swap3A_592] {strides = array<i32>} : memref<16x1024xf32, #tpu.memory_space<vmem>>, vector<16xf32>,
        tpu.vector_store %swap3A_590[%swap3A_591, %swap3A_592], %mul3A_586 {strides = array<i32>} : memref<16x1024xf32, #tpu.memory_space<vmem>>, vector<16xf32>,
        %get3A_594 = arith.constant 0 : i32
        %get3A_595 = arith.constant 0 : i32
        %get3A_596 = tpu.memref_slice %arg8[%rem3A_133, %get3A_594, %get3A_595] : memref<6x16x1024xf32, #tpu.memory_space<vmem>> -> memref<1x16x1024xf32, #tpu.memory_space<vmem>>
        %get3A_597 = tpu.memref_squeeze %get3A_596 : memref<1x16x1024xf32, #tpu.memory_space<vmem>> -> memref<16x1024xf32, #tpu.memory_space<vmem>>
        %get3A_598 = arith.index_cast %scan3A_191 : i32 to index
        %get3A_599 = arith.constant 400 : index
        %get3A_600 = tpu.vector_load %get3A_597[%get3A_598, %get3A_599] {strides = array<i32>} : memref<16x1024xf32, #tpu.memory_space<vmem>>, vector<16xf32>,
        %sub3A_601 = arith.subf %get3A_600, %gather3A_193 : vector<16xf32>
        %mul3A_602 = arith.mulf %sub3A_601, %gather3A_194 : vector<16xf32>
        %swap3A_603 = arith.constant 0 : i32
        %swap3A_604 = arith.constant 0 : i32
        %swap3A_605 = tpu.memref_slice %arg8[%rem3A_133, %swap3A_603, %swap3A_604] : memref<6x16x1024xf32, #tpu.memory_space<vmem>> -> memref<1x16x1024xf32, #tpu.memory_space<vmem>>
        %swap3A_606 = tpu.memref_squeeze %swap3A_605 : memref<1x16x1024xf32, #tpu.memory_space<vmem>> -> memref<16x1024xf32, #tpu.memory_space<vmem>>
        %swap3A_607 = arith.index_cast %scan3A_191 : i32 to index
        %swap3A_608 = arith.constant 400 : index
        %swap3A_609 = tpu.vector_load %swap3A_606[%swap3A_607, %swap3A_608] {strides = array<i32>} : memref<16x1024xf32, #tpu.memory_space<vmem>>, vector<16xf32>,
        tpu.vector_store %swap3A_606[%swap3A_607, %swap3A_608], %mul3A_602 {strides = array<i32>} : memref<16x1024xf32, #tpu.memory_space<vmem>>, vector<16xf32>,
        %get3A_610 = arith.constant 0 : i32
        %get3A_611 = arith.constant 0 : i32
        %get3A_612 = tpu.memref_slice %arg8[%rem3A_133, %get3A_610, %get3A_611] : memref<6x16x1024xf32, #tpu.memory_space<vmem>> -> memref<1x16x1024xf32, #tpu.memory_space<vmem>>
        %get3A_613 = tpu.memref_squeeze %get3A_612 : memref<1x16x1024xf32, #tpu.memory_space<vmem>> -> memref<16x1024xf32, #tpu.memory_space<vmem>>
        %get3A_614 = arith.index_cast %scan3A_191 : i32 to index
        %get3A_615 = arith.constant 416 : index
        %get3A_616 = tpu.vector_load %get3A_613[%get3A_614, %get3A_615] {strides = array<i32>} : memref<16x1024xf32, #tpu.memory_space<vmem>>, vector<16xf32>,
        %sub3A_617 = arith.subf %get3A_616, %gather3A_193 : vector<16xf32>
        %mul3A_618 = arith.mulf %sub3A_617, %gather3A_194 : vector<16xf32>
        %swap3A_619 = arith.constant 0 : i32
        %swap3A_620 = arith.constant 0 : i32
        %swap3A_621 = tpu.memref_slice %arg8[%rem3A_133, %swap3A_619, %swap3A_620] : memref<6x16x1024xf32, #tpu.memory_space<vmem>> -> memref<1x16x1024xf32, #tpu.memory_space<vmem>>
        %swap3A_622 = tpu.memref_squeeze %swap3A_621 : memref<1x16x1024xf32, #tpu.memory_space<vmem>> -> memref<16x1024xf32, #tpu.memory_space<vmem>>
        %swap3A_623 = arith.index_cast %scan3A_191 : i32 to index
        %swap3A_624 = arith.constant 416 : index
        %swap3A_625 = tpu.vector_load %swap3A_622[%swap3A_623, %swap3A_624] {strides = array<i32>} : memref<16x1024xf32, #tpu.memory_space<vmem>>, vector<16xf32>,
        tpu.vector_store %swap3A_622[%swap3A_623, %swap3A_624], %mul3A_618 {strides = array<i32>} : memref<16x1024xf32, #tpu.memory_space<vmem>>, vector<16xf32>,
        %get3A_626 = arith.constant 0 : i32
        %get3A_627 = arith.constant 0 : i32
        %get3A_628 = tpu.memref_slice %arg8[%rem3A_133, %get3A_626, %get3A_627] : memref<6x16x1024xf32, #tpu.memory_space<vmem>> -> memref<1x16x1024xf32, #tpu.memory_space<vmem>>
        %get3A_629 = tpu.memref_squeeze %get3A_628 : memref<1x16x1024xf32, #tpu.memory_space<vmem>> -> memref<16x1024xf32, #tpu.memory_space<vmem>>
        %get3A_630 = arith.index_cast %scan3A_191 : i32 to index
        %get3A_631 = arith.constant 432 : index
        %get3A_632 = tpu.vector_load %get3A_629[%get3A_630, %get3A_631] {strides = array<i32>} : memref<16x1024xf32, #tpu.memory_space<vmem>>, vector<16xf32>,
        %sub3A_633 = arith.subf %get3A_632, %gather3A_193 : vector<16xf32>
        %mul3A_634 = arith.mulf %sub3A_633, %gather3A_194 : vector<16xf32>
        %swap3A_635 = arith.constant 0 : i32
        %swap3A_636 = arith.constant 0 : i32
        %swap3A_637 = tpu.memref_slice %arg8[%rem3A_133, %swap3A_635, %swap3A_636] : memref<6x16x1024xf32, #tpu.memory_space<vmem>> -> memref<1x16x1024xf32, #tpu.memory_space<vmem>>
        %swap3A_638 = tpu.memref_squeeze %swap3A_637 : memref<1x16x1024xf32, #tpu.memory_space<vmem>> -> memref<16x1024xf32, #tpu.memory_space<vmem>>
        %swap3A_639 = arith.index_cast %scan3A_191 : i32 to index
        %swap3A_640 = arith.constant 432 : index
        %swap3A_641 = tpu.vector_load %swap3A_638[%swap3A_639, %swap3A_640] {strides = array<i32>} : memref<16x1024xf32, #tpu.memory_space<vmem>>, vector<16xf32>,
        tpu.vector_store %swap3A_638[%swap3A_639, %swap3A_640], %mul3A_634 {strides = array<i32>} : memref<16x1024xf32, #tpu.memory_space<vmem>>, vector<16xf32>,
        %get3A_642 = arith.constant 0 : i32
        %get3A_643 = arith.constant 0 : i32
        %get3A_644 = tpu.memref_slice %arg8[%rem3A_133, %get3A_642, %get3A_643] : memref<6x16x1024xf32, #tpu.memory_space<vmem>> -> memref<1x16x1024xf32, #tpu.memory_space<vmem>>
        %get3A_645 = tpu.memref_squeeze %get3A_644 : memref<1x16x1024xf32, #tpu.memory_space<vmem>> -> memref<16x1024xf32, #tpu.memory_space<vmem>>
        %get3A_646 = arith.index_cast %scan3A_191 : i32 to index
        %get3A_647 = arith.constant 448 : index
        %get3A_648 = tpu.vector_load %get3A_645[%get3A_646, %get3A_647] {strides = array<i32>} : memref<16x1024xf32, #tpu.memory_space<vmem>>, vector<16xf32>,
        %sub3A_649 = arith.subf %get3A_648, %gather3A_193 : vector<16xf32>
        %mul3A_650 = arith.mulf %sub3A_649, %gather3A_194 : vector<16xf32>
        %swap3A_651 = arith.constant 0 : i32
        %swap3A_652 = arith.constant 0 : i32
        %swap3A_653 = tpu.memref_slice %arg8[%rem3A_133, %swap3A_651, %swap3A_652] : memref<6x16x1024xf32, #tpu.memory_space<vmem>> -> memref<1x16x1024xf32, #tpu.memory_space<vmem>>
        %swap3A_654 = tpu.memref_squeeze %swap3A_653 : memref<1x16x1024xf32, #tpu.memory_space<vmem>> -> memref<16x1024xf32, #tpu.memory_space<vmem>>
        %swap3A_655 = arith.index_cast %scan3A_191 : i32 to index
        %swap3A_656 = arith.constant 448 : index
        %swap3A_657 = tpu.vector_load %swap3A_654[%swap3A_655, %swap3A_656] {strides = array<i32>} : memref<16x1024xf32, #tpu.memory_space<vmem>>, vector<16xf32>,
        tpu.vector_store %swap3A_654[%swap3A_655, %swap3A_656], %mul3A_650 {strides = array<i32>} : memref<16x1024xf32, #tpu.memory_space<vmem>>, vector<16xf32>,
        %get3A_658 = arith.constant 0 : i32
        %get3A_659 = arith.constant 0 : i32
        %get3A_660 = tpu.memref_slice %arg8[%rem3A_133, %get3A_658, %get3A_659] : memref<6x16x1024xf32, #tpu.memory_space<vmem>> -> memref<1x16x1024xf32, #tpu.memory_space<vmem>>
        %get3A_661 = tpu.memref_squeeze %get3A_660 : memref<1x16x1024xf32, #tpu.memory_space<vmem>> -> memref<16x1024xf32, #tpu.memory_space<vmem>>
        %get3A_662 = arith.index_cast %scan3A_191 : i32 to index
        %get3A_663 = arith.constant 464 : index
        %get3A_664 = tpu.vector_load %get3A_661[%get3A_662, %get3A_663] {strides = array<i32>} : memref<16x1024xf32, #tpu.memory_space<vmem>>, vector<16xf32>,
        %sub3A_665 = arith.subf %get3A_664, %gather3A_193 : vector<16xf32>
        %mul3A_666 = arith.mulf %sub3A_665, %gather3A_194 : vector<16xf32>
        %swap3A_667 = arith.constant 0 : i32
        %swap3A_668 = arith.constant 0 : i32
        %swap3A_669 = tpu.memref_slice %arg8[%rem3A_133, %swap3A_667, %swap3A_668] : memref<6x16x1024xf32, #tpu.memory_space<vmem>> -> memref<1x16x1024xf32, #tpu.memory_space<vmem>>
        %swap3A_670 = tpu.memref_squeeze %swap3A_669 : memref<1x16x1024xf32, #tpu.memory_space<vmem>> -> memref<16x1024xf32, #tpu.memory_space<vmem>>
        %swap3A_671 = arith.index_cast %scan3A_191 : i32 to index
        %swap3A_672 = arith.constant 464 : index
        %swap3A_673 = tpu.vector_load %swap3A_670[%swap3A_671, %swap3A_672] {strides = array<i32>} : memref<16x1024xf32, #tpu.memory_space<vmem>>, vector<16xf32>,
        tpu.vector_store %swap3A_670[%swap3A_671, %swap3A_672], %mul3A_666 {strides = array<i32>} : memref<16x1024xf32, #tpu.memory_space<vmem>>, vector<16xf32>,
        %get3A_674 = arith.constant 0 : i32
        %get3A_675 = arith.constant 0 : i32
        %get3A_676 = tpu.memref_slice %arg8[%rem3A_133, %get3A_674, %get3A_675] : memref<6x16x1024xf32, #tpu.memory_space<vmem>> -> memref<1x16x1024xf32, #tpu.memory_space<vmem>>
        %get3A_677 = tpu.memref_squeeze %get3A_676 : memref<1x16x1024xf32, #tpu.memory_space<vmem>> -> memref<16x1024xf32, #tpu.memory_space<vmem>>
        %get3A_678 = arith.index_cast %scan3A_191 : i32 to index
        %get3A_679 = arith.constant 480 : index
        %get3A_680 = tpu.vector_load %get3A_677[%get3A_678, %get3A_679] {strides = array<i32>} : memref<16x1024xf32, #tpu.memory_space<vmem>>, vector<16xf32>,
        %sub3A_681 = arith.subf %get3A_680, %gather3A_193 : vector<16xf32>
        %mul3A_682 = arith.mulf %sub3A_681, %gather3A_194 : vector<16xf32>
        %swap3A_683 = arith.constant 0 : i32
        %swap3A_684 = arith.constant 0 : i32
        %swap3A_685 = tpu.memref_slice %arg8[%rem3A_133, %swap3A_683, %swap3A_684] : memref<6x16x1024xf32, #tpu.memory_space<vmem>> -> memref<1x16x1024xf32, #tpu.memory_space<vmem>>
        %swap3A_686 = tpu.memref_squeeze %swap3A_685 : memref<1x16x1024xf32, #tpu.memory_space<vmem>> -> memref<16x1024xf32, #tpu.memory_space<vmem>>
        %swap3A_687 = arith.index_cast %scan3A_191 : i32 to index
        %swap3A_688 = arith.constant 480 : index
        %swap3A_689 = tpu.vector_load %swap3A_686[%swap3A_687, %swap3A_688] {strides = array<i32>} : memref<16x1024xf32, #tpu.memory_space<vmem>>, vector<16xf32>,
        tpu.vector_store %swap3A_686[%swap3A_687, %swap3A_688], %mul3A_682 {strides = array<i32>} : memref<16x1024xf32, #tpu.memory_space<vmem>>, vector<16xf32>,
        %get3A_690 = arith.constant 0 : i32
        %get3A_691 = arith.constant 0 : i32
        %get3A_692 = tpu.memref_slice %arg8[%rem3A_133, %get3A_690, %get3A_691] : memref<6x16x1024xf32, #tpu.memory_space<vmem>> -> memref<1x16x1024xf32, #tpu.memory_space<vmem>>
        %get3A_693 = tpu.memref_squeeze %get3A_692 : memref<1x16x1024xf32, #tpu.memory_space<vmem>> -> memref<16x1024xf32, #tpu.memory_space<vmem>>
        %get3A_694 = arith.index_cast %scan3A_191 : i32 to index
        %get3A_695 = arith.constant 496 : index
        %get3A_696 = tpu.vector_load %get3A_693[%get3A_694, %get3A_695] {strides = array<i32>} : memref<16x1024xf32, #tpu.memory_space<vmem>>, vector<16xf32>,
        %sub3A_697 = arith.subf %get3A_696, %gather3A_193 : vector<16xf32>
        %mul3A_698 = arith.mulf %sub3A_697, %gather3A_194 : vector<16xf32>
        %swap3A_699 = arith.constant 0 : i32
        %swap3A_700 = arith.constant 0 : i32
        %swap3A_701 = tpu.memref_slice %arg8[%rem3A_133, %swap3A_699, %swap3A_700] : memref<6x16x1024xf32, #tpu.memory_space<vmem>> -> memref<1x16x1024xf32, #tpu.memory_space<vmem>>
        %swap3A_702 = tpu.memref_squeeze %swap3A_701 : memref<1x16x1024xf32, #tpu.memory_space<vmem>> -> memref<16x1024xf32, #tpu.memory_space<vmem>>
        %swap3A_703 = arith.index_cast %scan3A_191 : i32 to index
        %swap3A_704 = arith.constant 496 : index
        %swap3A_705 = tpu.vector_load %swap3A_702[%swap3A_703, %swap3A_704] {strides = array<i32>} : memref<16x1024xf32, #tpu.memory_space<vmem>>, vector<16xf32>,
        tpu.vector_store %swap3A_702[%swap3A_703, %swap3A_704], %mul3A_698 {strides = array<i32>} : memref<16x1024xf32, #tpu.memory_space<vmem>>, vector<16xf32>,
        %get3A_706 = arith.constant 0 : i32
        %get3A_707 = arith.constant 0 : i32
        %get3A_708 = tpu.memref_slice %arg8[%rem3A_133, %get3A_706, %get3A_707] : memref<6x16x1024xf32, #tpu.memory_space<vmem>> -> memref<1x16x1024xf32, #tpu.memory_space<vmem>>
        %get3A_709 = tpu.memref_squeeze %get3A_708 : memref<1x16x1024xf32, #tpu.memory_space<vmem>> -> memref<16x1024xf32, #tpu.memory_space<vmem>>
        %get3A_710 = arith.index_cast %scan3A_191 : i32 to index
        %get3A_711 = arith.constant 512 : index
        %get3A_712 = tpu.vector_load %get3A_709[%get3A_710, %get3A_711] {strides = array<i32>} : memref<16x1024xf32, #tpu.memory_space<vmem>>, vector<16xf32>,
        %sub3A_713 = arith.subf %get3A_712, %gather3A_193 : vector<16xf32>
        %mul3A_714 = arith.mulf %sub3A_713, %gather3A_194 : vector<16xf32>
        %swap3A_715 = arith.constant 0 : i32
        %swap3A_716 = arith.constant 0 : i32
        %swap3A_717 = tpu.memref_slice %arg8[%rem3A_133, %swap3A_715, %swap3A_716] : memref<6x16x1024xf32, #tpu.memory_space<vmem>> -> memref<1x16x1024xf32, #tpu.memory_space<vmem>>
        %swap3A_718 = tpu.memref_squeeze %swap3A_717 : memref<1x16x1024xf32, #tpu.memory_space<vmem>> -> memref<16x1024xf32, #tpu.memory_space<vmem>>
        %swap3A_719 = arith.index_cast %scan3A_191 : i32 to index
        %swap3A_720 = arith.constant 512 : index
        %swap3A_721 = tpu.vector_load %swap3A_718[%swap3A_719, %swap3A_720] {strides = array<i32>} : memref<16x1024xf32, #tpu.memory_space<vmem>>, vector<16xf32>,
        tpu.vector_store %swap3A_718[%swap3A_719, %swap3A_720], %mul3A_714 {strides = array<i32>} : memref<16x1024xf32, #tpu.memory_space<vmem>>, vector<16xf32>,
        %get3A_722 = arith.constant 0 : i32
        %get3A_723 = arith.constant 0 : i32
        %get3A_724 = tpu.memref_slice %arg8[%rem3A_133, %get3A_722, %get3A_723] : memref<6x16x1024xf32, #tpu.memory_space<vmem>> -> memref<1x16x1024xf32, #tpu.memory_space<vmem>>
        %get3A_725 = tpu.memref_squeeze %get3A_724 : memref<1x16x1024xf32, #tpu.memory_space<vmem>> -> memref<16x1024xf32, #tpu.memory_space<vmem>>
        %get3A_726 = arith.index_cast %scan3A_191 : i32 to index
        %get3A_727 = arith.constant 528 : index
        %get3A_728 = tpu.vector_load %get3A_725[%get3A_726, %get3A_727] {strides = array<i32>} : memref<16x1024xf32, #tpu.memory_space<vmem>>, vector<16xf32>,
        %sub3A_729 = arith.subf %get3A_728, %gather3A_193 : vector<16xf32>
        %mul3A_730 = arith.mulf %sub3A_729, %gather3A_194 : vector<16xf32>
        %swap3A_731 = arith.constant 0 : i32
        %swap3A_732 = arith.constant 0 : i32
        %swap3A_733 = tpu.memref_slice %arg8[%rem3A_133, %swap3A_731, %swap3A_732] : memref<6x16x1024xf32, #tpu.memory_space<vmem>> -> memref<1x16x1024xf32, #tpu.memory_space<vmem>>
        %swap3A_734 = tpu.memref_squeeze %swap3A_733 : memref<1x16x1024xf32, #tpu.memory_space<vmem>> -> memref<16x1024xf32, #tpu.memory_space<vmem>>
        %swap3A_735 = arith.index_cast %scan3A_191 : i32 to index
        %swap3A_736 = arith.constant 528 : index
        %swap3A_737 = tpu.vector_load %swap3A_734[%swap3A_735, %swap3A_736] {strides = array<i32>} : memref<16x1024xf32, #tpu.memory_space<vmem>>, vector<16xf32>,
        tpu.vector_store %swap3A_734[%swap3A_735, %swap3A_736], %mul3A_730 {strides = array<i32>} : memref<16x1024xf32, #tpu.memory_space<vmem>>, vector<16xf32>,
        %get3A_738 = arith.constant 0 : i32
        %get3A_739 = arith.constant 0 : i32
        %get3A_740 = tpu.memref_slice %arg8[%rem3A_133, %get3A_738, %get3A_739] : memref<6x16x1024xf32, #tpu.memory_space<vmem>> -> memref<1x16x1024xf32, #tpu.memory_space<vmem>>
        %get3A_741 = tpu.memref_squeeze %get3A_740 : memref<1x16x1024xf32, #tpu.memory_space<vmem>> -> memref<16x1024xf32, #tpu.memory_space<vmem>>
        %get3A_742 = arith.index_cast %scan3A_191 : i32 to index
        %get3A_743 = arith.constant 544 : index
        %get3A_744 = tpu.vector_load %get3A_741[%get3A_742, %get3A_743] {strides = array<i32>} : memref<16x1024xf32, #tpu.memory_space<vmem>>, vector<16xf32>,
        %sub3A_745 = arith.subf %get3A_744, %gather3A_193 : vector<16xf32>
        %mul3A_746 = arith.mulf %sub3A_745, %gather3A_194 : vector<16xf32>
        %swap3A_747 = arith.constant 0 : i32
        %swap3A_748 = arith.constant 0 : i32
        %swap3A_749 = tpu.memref_slice %arg8[%rem3A_133, %swap3A_747, %swap3A_748] : memref<6x16x1024xf32, #tpu.memory_space<vmem>> -> memref<1x16x1024xf32, #tpu.memory_space<vmem>>
        %swap3A_750 = tpu.memref_squeeze %swap3A_749 : memref<1x16x1024xf32, #tpu.memory_space<vmem>> -> memref<16x1024xf32, #tpu.memory_space<vmem>>
        %swap3A_751 = arith.index_cast %scan3A_191 : i32 to index
        %swap3A_752 = arith.constant 544 : index
        %swap3A_753 = tpu.vector_load %swap3A_750[%swap3A_751, %swap3A_752] {strides = array<i32>} : memref<16x1024xf32, #tpu.memory_space<vmem>>, vector<16xf32>,
        tpu.vector_store %swap3A_750[%swap3A_751, %swap3A_752], %mul3A_746 {strides = array<i32>} : memref<16x1024xf32, #tpu.memory_space<vmem>>, vector<16xf32>,
        %get3A_754 = arith.constant 0 : i32
        %get3A_755 = arith.constant 0 : i32
        %get3A_756 = tpu.memref_slice %arg8[%rem3A_133, %get3A_754, %get3A_755] : memref<6x16x1024xf32, #tpu.memory_space<vmem>> -> memref<1x16x1024xf32, #tpu.memory_space<vmem>>
        %get3A_757 = tpu.memref_squeeze %get3A_756 : memref<1x16x1024xf32, #tpu.memory_space<vmem>> -> memref<16x1024xf32, #tpu.memory_space<vmem>>
        %get3A_758 = arith.index_cast %scan3A_191 : i32 to index
        %get3A_759 = arith.constant 560 : index
        %get3A_760 = tpu.vector_load %get3A_757[%get3A_758, %get3A_759] {strides = array<i32>} : memref<16x1024xf32, #tpu.memory_space<vmem>>, vector<16xf32>,
        %sub3A_761 = arith.subf %get3A_760, %gather3A_193 : vector<16xf32>
        %mul3A_762 = arith.mulf %sub3A_761, %gather3A_194 : vector<16xf32>
        %swap3A_763 = arith.constant 0 : i32
        %swap3A_764 = arith.constant 0 : i32
        %swap3A_765 = tpu.memref_slice %arg8[%rem3A_133, %swap3A_763, %swap3A_764] : memref<6x16x1024xf32, #tpu.memory_space<vmem>> -> memref<1x16x1024xf32, #tpu.memory_space<vmem>>
        %swap3A_766 = tpu.memref_squeeze %swap3A_765 : memref<1x16x1024xf32, #tpu.memory_space<vmem>> -> memref<16x1024xf32, #tpu.memory_space<vmem>>
        %swap3A_767 = arith.index_cast %scan3A_191 : i32 to index
        %swap3A_768 = arith.constant 560 : index
        %swap3A_769 = tpu.vector_load %swap3A_766[%swap3A_767, %swap3A_768] {strides = array<i32>} : memref<16x1024xf32, #tpu.memory_space<vmem>>, vector<16xf32>,
        tpu.vector_store %swap3A_766[%swap3A_767, %swap3A_768], %mul3A_762 {strides = array<i32>} : memref<16x1024xf32, #tpu.memory_space<vmem>>, vector<16xf32>,
        %get3A_770 = arith.constant 0 : i32
        %get3A_771 = arith.constant 0 : i32
        %get3A_772 = tpu.memref_slice %arg8[%rem3A_133, %get3A_770, %get3A_771] : memref<6x16x1024xf32, #tpu.memory_space<vmem>> -> memref<1x16x1024xf32, #tpu.memory_space<vmem>>
        %get3A_773 = tpu.memref_squeeze %get3A_772 : memref<1x16x1024xf32, #tpu.memory_space<vmem>> -> memref<16x1024xf32, #tpu.memory_space<vmem>>
        %get3A_774 = arith.index_cast %scan3A_191 : i32 to index
        %get3A_775 = arith.constant 576 : index
        %get3A_776 = tpu.vector_load %get3A_773[%get3A_774, %get3A_775] {strides = array<i32>} : memref<16x1024xf32, #tpu.memory_space<vmem>>, vector<16xf32>,
        %sub3A_777 = arith.subf %get3A_776, %gather3A_193 : vector<16xf32>
        %mul3A_778 = arith.mulf %sub3A_777, %gather3A_194 : vector<16xf32>
        %swap3A_779 = arith.constant 0 : i32
        %swap3A_780 = arith.constant 0 : i32
        %swap3A_781 = tpu.memref_slice %arg8[%rem3A_133, %swap3A_779, %swap3A_780] : memref<6x16x1024xf32, #tpu.memory_space<vmem>> -> memref<1x16x1024xf32, #tpu.memory_space<vmem>>
        %swap3A_782 = tpu.memref_squeeze %swap3A_781 : memref<1x16x1024xf32, #tpu.memory_space<vmem>> -> memref<16x1024xf32, #tpu.memory_space<vmem>>
        %swap3A_783 = arith.index_cast %scan3A_191 : i32 to index
        %swap3A_784 = arith.constant 576 : index
        %swap3A_785 = tpu.vector_load %swap3A_782[%swap3A_783, %swap3A_784] {strides = array<i32>} : memref<16x1024xf32, #tpu.memory_space<vmem>>, vector<16xf32>,
        tpu.vector_store %swap3A_782[%swap3A_783, %swap3A_784], %mul3A_778 {strides = array<i32>} : memref<16x1024xf32, #tpu.memory_space<vmem>>, vector<16xf32>,
        %get3A_786 = arith.constant 0 : i32
        %get3A_787 = arith.constant 0 : i32
        %get3A_788 = tpu.memref_slice %arg8[%rem3A_133, %get3A_786, %get3A_787] : memref<6x16x1024xf32, #tpu.memory_space<vmem>> -> memref<1x16x1024xf32, #tpu.memory_space<vmem>>
        %get3A_789 = tpu.memref_squeeze %get3A_788 : memref<1x16x1024xf32, #tpu.memory_space<vmem>> -> memref<16x1024xf32, #tpu.memory_space<vmem>>
        %get3A_790 = arith.index_cast %scan3A_191 : i32 to index
        %get3A_791 = arith.constant 592 : index
        %get3A_792 = tpu.vector_load %get3A_789[%get3A_790, %get3A_791] {strides = array<i32>} : memref<16x1024xf32, #tpu.memory_space<vmem>>, vector<16xf32>,
        %sub3A_793 = arith.subf %get3A_792, %gather3A_193 : vector<16xf32>
        %mul3A_794 = arith.mulf %sub3A_793, %gather3A_194 : vector<16xf32>
        %swap3A_795 = arith.constant 0 : i32
        %swap3A_796 = arith.constant 0 : i32
        %swap3A_797 = tpu.memref_slice %arg8[%rem3A_133, %swap3A_795, %swap3A_796] : memref<6x16x1024xf32, #tpu.memory_space<vmem>> -> memref<1x16x1024xf32, #tpu.memory_space<vmem>>
        %swap3A_798 = tpu.memref_squeeze %swap3A_797 : memref<1x16x1024xf32, #tpu.memory_space<vmem>> -> memref<16x1024xf32, #tpu.memory_space<vmem>>
        %swap3A_799 = arith.index_cast %scan3A_191 : i32 to index
        %swap3A_800 = arith.constant 592 : index
        %swap3A_801 = tpu.vector_load %swap3A_798[%swap3A_799, %swap3A_800] {strides = array<i32>} : memref<16x1024xf32, #tpu.memory_space<vmem>>, vector<16xf32>,
        tpu.vector_store %swap3A_798[%swap3A_799, %swap3A_800], %mul3A_794 {strides = array<i32>} : memref<16x1024xf32, #tpu.memory_space<vmem>>, vector<16xf32>,
        %get3A_802 = arith.constant 0 : i32
        %get3A_803 = arith.constant 0 : i32
        %get3A_804 = tpu.memref_slice %arg8[%rem3A_133, %get3A_802, %get3A_803] : memref<6x16x1024xf32, #tpu.memory_space<vmem>> -> memref<1x16x1024xf32, #tpu.memory_space<vmem>>
        %get3A_805 = tpu.memref_squeeze %get3A_804 : memref<1x16x1024xf32, #tpu.memory_space<vmem>> -> memref<16x1024xf32, #tpu.memory_space<vmem>>
        %get3A_806 = arith.index_cast %scan3A_191 : i32 to index
        %get3A_807 = arith.constant 608 : index
        %get3A_808 = tpu.vector_load %get3A_805[%get3A_806, %get3A_807] {strides = array<i32>} : memref<16x1024xf32, #tpu.memory_space<vmem>>, vector<16xf32>,
        %sub3A_809 = arith.subf %get3A_808, %gather3A_193 : vector<16xf32>
        %mul3A_810 = arith.mulf %sub3A_809, %gather3A_194 : vector<16xf32>
        %swap3A_811 = arith.constant 0 : i32
        %swap3A_812 = arith.constant 0 : i32
        %swap3A_813 = tpu.memref_slice %arg8[%rem3A_133, %swap3A_811, %swap3A_812] : memref<6x16x1024xf32, #tpu.memory_space<vmem>> -> memref<1x16x1024xf32, #tpu.memory_space<vmem>>
        %swap3A_814 = tpu.memref_squeeze %swap3A_813 : memref<1x16x1024xf32, #tpu.memory_space<vmem>> -> memref<16x1024xf32, #tpu.memory_space<vmem>>
        %swap3A_815 = arith.index_cast %scan3A_191 : i32 to index
        %swap3A_816 = arith.constant 608 : index
        %swap3A_817 = tpu.vector_load %swap3A_814[%swap3A_815, %swap3A_816] {strides = array<i32>} : memref<16x1024xf32, #tpu.memory_space<vmem>>, vector<16xf32>,
        tpu.vector_store %swap3A_814[%swap3A_815, %swap3A_816], %mul3A_810 {strides = array<i32>} : memref<16x1024xf32, #tpu.memory_space<vmem>>, vector<16xf32>,
        %get3A_818 = arith.constant 0 : i32
        %get3A_819 = arith.constant 0 : i32
        %get3A_820 = tpu.memref_slice %arg8[%rem3A_133, %get3A_818, %get3A_819] : memref<6x16x1024xf32, #tpu.memory_space<vmem>> -> memref<1x16x1024xf32, #tpu.memory_space<vmem>>
        %get3A_821 = tpu.memref_squeeze %get3A_820 : memref<1x16x1024xf32, #tpu.memory_space<vmem>> -> memref<16x1024xf32, #tpu.memory_space<vmem>>
        %get3A_822 = arith.index_cast %scan3A_191 : i32 to index
        %get3A_823 = arith.constant 624 : index
        %get3A_824 = tpu.vector_load %get3A_821[%get3A_822, %get3A_823] {strides = array<i32>} : memref<16x1024xf32, #tpu.memory_space<vmem>>, vector<16xf32>,
        %sub3A_825 = arith.subf %get3A_824, %gather3A_193 : vector<16xf32>
        %mul3A_826 = arith.mulf %sub3A_825, %gather3A_194 : vector<16xf32>
        %swap3A_827 = arith.constant 0 : i32
        %swap3A_828 = arith.constant 0 : i32
        %swap3A_829 = tpu.memref_slice %arg8[%rem3A_133, %swap3A_827, %swap3A_828] : memref<6x16x1024xf32, #tpu.memory_space<vmem>> -> memref<1x16x1024xf32, #tpu.memory_space<vmem>>
        %swap3A_830 = tpu.memref_squeeze %swap3A_829 : memref<1x16x1024xf32, #tpu.memory_space<vmem>> -> memref<16x1024xf32, #tpu.memory_space<vmem>>
        %swap3A_831 = arith.index_cast %scan3A_191 : i32 to index
        %swap3A_832 = arith.constant 624 : index
        %swap3A_833 = tpu.vector_load %swap3A_830[%swap3A_831, %swap3A_832] {strides = array<i32>} : memref<16x1024xf32, #tpu.memory_space<vmem>>, vector<16xf32>,
        tpu.vector_store %swap3A_830[%swap3A_831, %swap3A_832], %mul3A_826 {strides = array<i32>} : memref<16x1024xf32, #tpu.memory_space<vmem>>, vector<16xf32>,
        %get3A_834 = arith.constant 0 : i32
        %get3A_835 = arith.constant 0 : i32
        %get3A_836 = tpu.memref_slice %arg8[%rem3A_133, %get3A_834, %get3A_835] : memref<6x16x1024xf32, #tpu.memory_space<vmem>> -> memref<1x16x1024xf32, #tpu.memory_space<vmem>>
        %get3A_837 = tpu.memref_squeeze %get3A_836 : memref<1x16x1024xf32, #tpu.memory_space<vmem>> -> memref<16x1024xf32, #tpu.memory_space<vmem>>
        %get3A_838 = arith.index_cast %scan3A_191 : i32 to index
        %get3A_839 = arith.constant 640 : index
        %get3A_840 = tpu.vector_load %get3A_837[%get3A_838, %get3A_839] {strides = array<i32>} : memref<16x1024xf32, #tpu.memory_space<vmem>>, vector<16xf32>,
        %sub3A_841 = arith.subf %get3A_840, %gather3A_193 : vector<16xf32>
        %mul3A_842 = arith.mulf %sub3A_841, %gather3A_194 : vector<16xf32>
        %swap3A_843 = arith.constant 0 : i32
        %swap3A_844 = arith.constant 0 : i32
        %swap3A_845 = tpu.memref_slice %arg8[%rem3A_133, %swap3A_843, %swap3A_844] : memref<6x16x1024xf32, #tpu.memory_space<vmem>> -> memref<1x16x1024xf32, #tpu.memory_space<vmem>>
        %swap3A_846 = tpu.memref_squeeze %swap3A_845 : memref<1x16x1024xf32, #tpu.memory_space<vmem>> -> memref<16x1024xf32, #tpu.memory_space<vmem>>
        %swap3A_847 = arith.index_cast %scan3A_191 : i32 to index
        %swap3A_848 = arith.constant 640 : index
        %swap3A_849 = tpu.vector_load %swap3A_846[%swap3A_847, %swap3A_848] {strides = array<i32>} : memref<16x1024xf32, #tpu.memory_space<vmem>>, vector<16xf32>,
        tpu.vector_store %swap3A_846[%swap3A_847, %swap3A_848], %mul3A_842 {strides = array<i32>} : memref<16x1024xf32, #tpu.memory_space<vmem>>, vector<16xf32>,
        %get3A_850 = arith.constant 0 : i32
        %get3A_851 = arith.constant 0 : i32
        %get3A_852 = tpu.memref_slice %arg8[%rem3A_133, %get3A_850, %get3A_851] : memref<6x16x1024xf32, #tpu.memory_space<vmem>> -> memref<1x16x1024xf32, #tpu.memory_space<vmem>>
        %get3A_853 = tpu.memref_squeeze %get3A_852 : memref<1x16x1024xf32, #tpu.memory_space<vmem>> -> memref<16x1024xf32, #tpu.memory_space<vmem>>
        %get3A_854 = arith.index_cast %scan3A_191 : i32 to index
        %get3A_855 = arith.constant 656 : index
        %get3A_856 = tpu.vector_load %get3A_853[%get3A_854, %get3A_855] {strides = array<i32>} : memref<16x1024xf32, #tpu.memory_space<vmem>>, vector<16xf32>,
        %sub3A_857 = arith.subf %get3A_856, %gather3A_193 : vector<16xf32>
        %mul3A_858 = arith.mulf %sub3A_857, %gather3A_194 : vector<16xf32>
        %swap3A_859 = arith.constant 0 : i32
        %swap3A_860 = arith.constant 0 : i32
        %swap3A_861 = tpu.memref_slice %arg8[%rem3A_133, %swap3A_859, %swap3A_860] : memref<6x16x1024xf32, #tpu.memory_space<vmem>> -> memref<1x16x1024xf32, #tpu.memory_space<vmem>>
        %swap3A_862 = tpu.memref_squeeze %swap3A_861 : memref<1x16x1024xf32, #tpu.memory_space<vmem>> -> memref<16x1024xf32, #tpu.memory_space<vmem>>
        %swap3A_863 = arith.index_cast %scan3A_191 : i32 to index
        %swap3A_864 = arith.constant 656 : index
        %swap3A_865 = tpu.vector_load %swap3A_862[%swap3A_863, %swap3A_864] {strides = array<i32>} : memref<16x1024xf32, #tpu.memory_space<vmem>>, vector<16xf32>,
        tpu.vector_store %swap3A_862[%swap3A_863, %swap3A_864], %mul3A_858 {strides = array<i32>} : memref<16x1024xf32, #tpu.memory_space<vmem>>, vector<16xf32>,
        %get3A_866 = arith.constant 0 : i32
        %get3A_867 = arith.constant 0 : i32
        %get3A_868 = tpu.memref_slice %arg8[%rem3A_133, %get3A_866, %get3A_867] : memref<6x16x1024xf32, #tpu.memory_space<vmem>> -> memref<1x16x1024xf32, #tpu.memory_space<vmem>>
        %get3A_869 = tpu.memref_squeeze %get3A_868 : memref<1x16x1024xf32, #tpu.memory_space<vmem>> -> memref<16x1024xf32, #tpu.memory_space<vmem>>
        %get3A_870 = arith.index_cast %scan3A_191 : i32 to index
        %get3A_871 = arith.constant 672 : index
        %get3A_872 = tpu.vector_load %get3A_869[%get3A_870, %get3A_871] {strides = array<i32>} : memref<16x1024xf32, #tpu.memory_space<vmem>>, vector<16xf32>,
        %sub3A_873 = arith.subf %get3A_872, %gather3A_193 : vector<16xf32>
        %mul3A_874 = arith.mulf %sub3A_873, %gather3A_194 : vector<16xf32>
        %swap3A_875 = arith.constant 0 : i32
        %swap3A_876 = arith.constant 0 : i32
        %swap3A_877 = tpu.memref_slice %arg8[%rem3A_133, %swap3A_875, %swap3A_876] : memref<6x16x1024xf32, #tpu.memory_space<vmem>> -> memref<1x16x1024xf32, #tpu.memory_space<vmem>>
        %swap3A_878 = tpu.memref_squeeze %swap3A_877 : memref<1x16x1024xf32, #tpu.memory_space<vmem>> -> memref<16x1024xf32, #tpu.memory_space<vmem>>
        %swap3A_879 = arith.index_cast %scan3A_191 : i32 to index
        %swap3A_880 = arith.constant 672 : index
        %swap3A_881 = tpu.vector_load %swap3A_878[%swap3A_879, %swap3A_880] {strides = array<i32>} : memref<16x1024xf32, #tpu.memory_space<vmem>>, vector<16xf32>,
        tpu.vector_store %swap3A_878[%swap3A_879, %swap3A_880], %mul3A_874 {strides = array<i32>} : memref<16x1024xf32, #tpu.memory_space<vmem>>, vector<16xf32>,
        %get3A_882 = arith.constant 0 : i32
        %get3A_883 = arith.constant 0 : i32
        %get3A_884 = tpu.memref_slice %arg8[%rem3A_133, %get3A_882, %get3A_883] : memref<6x16x1024xf32, #tpu.memory_space<vmem>> -> memref<1x16x1024xf32, #tpu.memory_space<vmem>>
        %get3A_885 = tpu.memref_squeeze %get3A_884 : memref<1x16x1024xf32, #tpu.memory_space<vmem>> -> memref<16x1024xf32, #tpu.memory_space<vmem>>
        %get3A_886 = arith.index_cast %scan3A_191 : i32 to index
        %get3A_887 = arith.constant 688 : index
        %get3A_888 = tpu.vector_load %get3A_885[%get3A_886, %get3A_887] {strides = array<i32>} : memref<16x1024xf32, #tpu.memory_space<vmem>>, vector<16xf32>,
        %sub3A_889 = arith.subf %get3A_888, %gather3A_193 : vector<16xf32>
        %mul3A_890 = arith.mulf %sub3A_889, %gather3A_194 : vector<16xf32>
        %swap3A_891 = arith.constant 0 : i32
        %swap3A_892 = arith.constant 0 : i32
        %swap3A_893 = tpu.memref_slice %arg8[%rem3A_133, %swap3A_891, %swap3A_892] : memref<6x16x1024xf32, #tpu.memory_space<vmem>> -> memref<1x16x1024xf32, #tpu.memory_space<vmem>>
        %swap3A_894 = tpu.memref_squeeze %swap3A_893 : memref<1x16x1024xf32, #tpu.memory_space<vmem>> -> memref<16x1024xf32, #tpu.memory_space<vmem>>
        %swap3A_895 = arith.index_cast %scan3A_191 : i32 to index
        %swap3A_896 = arith.constant 688 : index
        %swap3A_897 = tpu.vector_load %swap3A_894[%swap3A_895, %swap3A_896] {strides = array<i32>} : memref<16x1024xf32, #tpu.memory_space<vmem>>, vector<16xf32>,
        tpu.vector_store %swap3A_894[%swap3A_895, %swap3A_896], %mul3A_890 {strides = array<i32>} : memref<16x1024xf32, #tpu.memory_space<vmem>>, vector<16xf32>,
        %get3A_898 = arith.constant 0 : i32
        %get3A_899 = arith.constant 0 : i32
        %get3A_900 = tpu.memref_slice %arg8[%rem3A_133, %get3A_898, %get3A_899] : memref<6x16x1024xf32, #tpu.memory_space<vmem>> -> memref<1x16x1024xf32, #tpu.memory_space<vmem>>
        %get3A_901 = tpu.memref_squeeze %get3A_900 : memref<1x16x1024xf32, #tpu.memory_space<vmem>> -> memref<16x1024xf32, #tpu.memory_space<vmem>>
        %get3A_902 = arith.index_cast %scan3A_191 : i32 to index
        %get3A_903 = arith.constant 704 : index
        %get3A_904 = tpu.vector_load %get3A_901[%get3A_902, %get3A_903] {strides = array<i32>} : memref<16x1024xf32, #tpu.memory_space<vmem>>, vector<16xf32>,
        %sub3A_905 = arith.subf %get3A_904, %gather3A_193 : vector<16xf32>
        %mul3A_906 = arith.mulf %sub3A_905, %gather3A_194 : vector<16xf32>
        %swap3A_907 = arith.constant 0 : i32
        %swap3A_908 = arith.constant 0 : i32
        %swap3A_909 = tpu.memref_slice %arg8[%rem3A_133, %swap3A_907, %swap3A_908] : memref<6x16x1024xf32, #tpu.memory_space<vmem>> -> memref<1x16x1024xf32, #tpu.memory_space<vmem>>
        %swap3A_910 = tpu.memref_squeeze %swap3A_909 : memref<1x16x1024xf32, #tpu.memory_space<vmem>> -> memref<16x1024xf32, #tpu.memory_space<vmem>>
        %swap3A_911 = arith.index_cast %scan3A_191 : i32 to index
        %swap3A_912 = arith.constant 704 : index
        %swap3A_913 = tpu.vector_load %swap3A_910[%swap3A_911, %swap3A_912] {strides = array<i32>} : memref<16x1024xf32, #tpu.memory_space<vmem>>, vector<16xf32>,
        tpu.vector_store %swap3A_910[%swap3A_911, %swap3A_912], %mul3A_906 {strides = array<i32>} : memref<16x1024xf32, #tpu.memory_space<vmem>>, vector<16xf32>,
        %get3A_914 = arith.constant 0 : i32
        %get3A_915 = arith.constant 0 : i32
        %get3A_916 = tpu.memref_slice %arg8[%rem3A_133, %get3A_914, %get3A_915] : memref<6x16x1024xf32, #tpu.memory_space<vmem>> -> memref<1x16x1024xf32, #tpu.memory_space<vmem>>
        %get3A_917 = tpu.memref_squeeze %get3A_916 : memref<1x16x1024xf32, #tpu.memory_space<vmem>> -> memref<16x1024xf32, #tpu.memory_space<vmem>>
        %get3A_918 = arith.index_cast %scan3A_191 : i32 to index
        %get3A_919 = arith.constant 720 : index
        %get3A_920 = tpu.vector_load %get3A_917[%get3A_918, %get3A_919] {strides = array<i32>} : memref<16x1024xf32, #tpu.memory_space<vmem>>, vector<16xf32>,
        %sub3A_921 = arith.subf %get3A_920, %gather3A_193 : vector<16xf32>
        %mul3A_922 = arith.mulf %sub3A_921, %gather3A_194 : vector<16xf32>
        %swap3A_923 = arith.constant 0 : i32
        %swap3A_924 = arith.constant 0 : i32
        %swap3A_925 = tpu.memref_slice %arg8[%rem3A_133, %swap3A_923, %swap3A_924] : memref<6x16x1024xf32, #tpu.memory_space<vmem>> -> memref<1x16x1024xf32, #tpu.memory_space<vmem>>
        %swap3A_926 = tpu.memref_squeeze %swap3A_925 : memref<1x16x1024xf32, #tpu.memory_space<vmem>> -> memref<16x1024xf32, #tpu.memory_space<vmem>>
        %swap3A_927 = arith.index_cast %scan3A_191 : i32 to index
        %swap3A_928 = arith.constant 720 : index
        %swap3A_929 = tpu.vector_load %swap3A_926[%swap3A_927, %swap3A_928] {strides = array<i32>} : memref<16x1024xf32, #tpu.memory_space<vmem>>, vector<16xf32>,
        tpu.vector_store %swap3A_926[%swap3A_927, %swap3A_928], %mul3A_922 {strides = array<i32>} : memref<16x1024xf32, #tpu.memory_space<vmem>>, vector<16xf32>,
        %get3A_930 = arith.constant 0 : i32
        %get3A_931 = arith.constant 0 : i32
        %get3A_932 = tpu.memref_slice %arg8[%rem3A_133, %get3A_930, %get3A_931] : memref<6x16x1024xf32, #tpu.memory_space<vmem>> -> memref<1x16x1024xf32, #tpu.memory_space<vmem>>
        %get3A_933 = tpu.memref_squeeze %get3A_932 : memref<1x16x1024xf32, #tpu.memory_space<vmem>> -> memref<16x1024xf32, #tpu.memory_space<vmem>>
        %get3A_934 = arith.index_cast %scan3A_191 : i32 to index
        %get3A_935 = arith.constant 736 : index
        %get3A_936 = tpu.vector_load %get3A_933[%get3A_934, %get3A_935] {strides = array<i32>} : memref<16x1024xf32, #tpu.memory_space<vmem>>, vector<16xf32>,
        %sub3A_937 = arith.subf %get3A_936, %gather3A_193 : vector<16xf32>
        %mul3A_938 = arith.mulf %sub3A_937, %gather3A_194 : vector<16xf32>
        %swap3A_939 = arith.constant 0 : i32
        %swap3A_940 = arith.constant 0 : i32
        %swap3A_941 = tpu.memref_slice %arg8[%rem3A_133, %swap3A_939, %swap3A_940] : memref<6x16x1024xf32, #tpu.memory_space<vmem>> -> memref<1x16x1024xf32, #tpu.memory_space<vmem>>
        %swap3A_942 = tpu.memref_squeeze %swap3A_941 : memref<1x16x1024xf32, #tpu.memory_space<vmem>> -> memref<16x1024xf32, #tpu.memory_space<vmem>>
        %swap3A_943 = arith.index_cast %scan3A_191 : i32 to index
        %swap3A_944 = arith.constant 736 : index
        %swap3A_945 = tpu.vector_load %swap3A_942[%swap3A_943, %swap3A_944] {strides = array<i32>} : memref<16x1024xf32, #tpu.memory_space<vmem>>, vector<16xf32>,
        tpu.vector_store %swap3A_942[%swap3A_943, %swap3A_944], %mul3A_938 {strides = array<i32>} : memref<16x1024xf32, #tpu.memory_space<vmem>>, vector<16xf32>,
        %get3A_946 = arith.constant 0 : i32
        %get3A_947 = arith.constant 0 : i32
        %get3A_948 = tpu.memref_slice %arg8[%rem3A_133, %get3A_946, %get3A_947] : memref<6x16x1024xf32, #tpu.memory_space<vmem>> -> memref<1x16x1024xf32, #tpu.memory_space<vmem>>
        %get3A_949 = tpu.memref_squeeze %get3A_948 : memref<1x16x1024xf32, #tpu.memory_space<vmem>> -> memref<16x1024xf32, #tpu.memory_space<vmem>>
        %get3A_950 = arith.index_cast %scan3A_191 : i32 to index
        %get3A_951 = arith.constant 752 : index
        %get3A_952 = tpu.vector_load %get3A_949[%get3A_950, %get3A_951] {strides = array<i32>} : memref<16x1024xf32, #tpu.memory_space<vmem>>, vector<16xf32>,
        %sub3A_953 = arith.subf %get3A_952, %gather3A_193 : vector<16xf32>
        %mul3A_954 = arith.mulf %sub3A_953, %gather3A_194 : vector<16xf32>
        %swap3A_955 = arith.constant 0 : i32
        %swap3A_956 = arith.constant 0 : i32
        %swap3A_957 = tpu.memref_slice %arg8[%rem3A_133, %swap3A_955, %swap3A_956] : memref<6x16x1024xf32, #tpu.memory_space<vmem>> -> memref<1x16x1024xf32, #tpu.memory_space<vmem>>
        %swap3A_958 = tpu.memref_squeeze %swap3A_957 : memref<1x16x1024xf32, #tpu.memory_space<vmem>> -> memref<16x1024xf32, #tpu.memory_space<vmem>>
        %swap3A_959 = arith.index_cast %scan3A_191 : i32 to index
        %swap3A_960 = arith.constant 752 : index
        %swap3A_961 = tpu.vector_load %swap3A_958[%swap3A_959, %swap3A_960] {strides = array<i32>} : memref<16x1024xf32, #tpu.memory_space<vmem>>, vector<16xf32>,
        tpu.vector_store %swap3A_958[%swap3A_959, %swap3A_960], %mul3A_954 {strides = array<i32>} : memref<16x1024xf32, #tpu.memory_space<vmem>>, vector<16xf32>,
        %get3A_962 = arith.constant 0 : i32
        %get3A_963 = arith.constant 0 : i32
        %get3A_964 = tpu.memref_slice %arg8[%rem3A_133, %get3A_962, %get3A_963] : memref<6x16x1024xf32, #tpu.memory_space<vmem>> -> memref<1x16x1024xf32, #tpu.memory_space<vmem>>
        %get3A_965 = tpu.memref_squeeze %get3A_964 : memref<1x16x1024xf32, #tpu.memory_space<vmem>> -> memref<16x1024xf32, #tpu.memory_space<vmem>>
        %get3A_966 = arith.index_cast %scan3A_191 : i32 to index
        %get3A_967 = arith.constant 768 : index
        %get3A_968 = tpu.vector_load %get3A_965[%get3A_966, %get3A_967] {strides = array<i32>} : memref<16x1024xf32, #tpu.memory_space<vmem>>, vector<16xf32>,
        %sub3A_969 = arith.subf %get3A_968, %gather3A_193 : vector<16xf32>
        %mul3A_970 = arith.mulf %sub3A_969, %gather3A_194 : vector<16xf32>
        %swap3A_971 = arith.constant 0 : i32
        %swap3A_972 = arith.constant 0 : i32
        %swap3A_973 = tpu.memref_slice %arg8[%rem3A_133, %swap3A_971, %swap3A_972] : memref<6x16x1024xf32, #tpu.memory_space<vmem>> -> memref<1x16x1024xf32, #tpu.memory_space<vmem>>
        %swap3A_974 = tpu.memref_squeeze %swap3A_973 : memref<1x16x1024xf32, #tpu.memory_space<vmem>> -> memref<16x1024xf32, #tpu.memory_space<vmem>>
        %swap3A_975 = arith.index_cast %scan3A_191 : i32 to index
        %swap3A_976 = arith.constant 768 : index
        %swap3A_977 = tpu.vector_load %swap3A_974[%swap3A_975, %swap3A_976] {strides = array<i32>} : memref<16x1024xf32, #tpu.memory_space<vmem>>, vector<16xf32>,
        tpu.vector_store %swap3A_974[%swap3A_975, %swap3A_976], %mul3A_970 {strides = array<i32>} : memref<16x1024xf32, #tpu.memory_space<vmem>>, vector<16xf32>,
        %get3A_978 = arith.constant 0 : i32
        %get3A_979 = arith.constant 0 : i32
        %get3A_980 = tpu.memref_slice %arg8[%rem3A_133, %get3A_978, %get3A_979] : memref<6x16x1024xf32, #tpu.memory_space<vmem>> -> memref<1x16x1024xf32, #tpu.memory_space<vmem>>
        %get3A_981 = tpu.memref_squeeze %get3A_980 : memref<1x16x1024xf32, #tpu.memory_space<vmem>> -> memref<16x1024xf32, #tpu.memory_space<vmem>>
        %get3A_982 = arith.index_cast %scan3A_191 : i32 to index
        %get3A_983 = arith.constant 784 : index
        %get3A_984 = tpu.vector_load %get3A_981[%get3A_982, %get3A_983] {strides = array<i32>} : memref<16x1024xf32, #tpu.memory_space<vmem>>, vector<16xf32>,
        %sub3A_985 = arith.subf %get3A_984, %gather3A_193 : vector<16xf32>
        %mul3A_986 = arith.mulf %sub3A_985, %gather3A_194 : vector<16xf32>
        %swap3A_987 = arith.constant 0 : i32
        %swap3A_988 = arith.constant 0 : i32
        %swap3A_989 = tpu.memref_slice %arg8[%rem3A_133, %swap3A_987, %swap3A_988] : memref<6x16x1024xf32, #tpu.memory_space<vmem>> -> memref<1x16x1024xf32, #tpu.memory_space<vmem>>
        %swap3A_990 = tpu.memref_squeeze %swap3A_989 : memref<1x16x1024xf32, #tpu.memory_space<vmem>> -> memref<16x1024xf32, #tpu.memory_space<vmem>>
        %swap3A_991 = arith.index_cast %scan3A_191 : i32 to index
        %swap3A_992 = arith.constant 784 : index
        %swap3A_993 = tpu.vector_load %swap3A_990[%swap3A_991, %swap3A_992] {strides = array<i32>} : memref<16x1024xf32, #tpu.memory_space<vmem>>, vector<16xf32>,
        tpu.vector_store %swap3A_990[%swap3A_991, %swap3A_992], %mul3A_986 {strides = array<i32>} : memref<16x1024xf32, #tpu.memory_space<vmem>>, vector<16xf32>,
        %get3A_994 = arith.constant 0 : i32
        %get3A_995 = arith.constant 0 : i32
        %get3A_996 = tpu.memref_slice %arg8[%rem3A_133, %get3A_994, %get3A_995] : memref<6x16x1024xf32, #tpu.memory_space<vmem>> -> memref<1x16x1024xf32, #tpu.memory_space<vmem>>
        %get3A_997 = tpu.memref_squeeze %get3A_996 : memref<1x16x1024xf32, #tpu.memory_space<vmem>> -> memref<16x1024xf32, #tpu.memory_space<vmem>>
        %get3A_998 = arith.index_cast %scan3A_191 : i32 to index
        %get3A_999 = arith.constant 800 : index
        %get3A_1000 = tpu.vector_load %get3A_997[%get3A_998, %get3A_999] {strides = array<i32>} : memref<16x1024xf32, #tpu.memory_space<vmem>>, vector<16xf32>,
        %sub3A_1001 = arith.subf %get3A_1000, %gather3A_193 : vector<16xf32>
        %mul3A_1002 = arith.mulf %sub3A_1001, %gather3A_194 : vector<16xf32>
        %swap3A_1003 = arith.constant 0 : i32
        %swap3A_1004 = arith.constant 0 : i32
        %swap3A_1005 = tpu.memref_slice %arg8[%rem3A_133, %swap3A_1003, %swap3A_1004] : memref<6x16x1024xf32, #tpu.memory_space<vmem>> -> memref<1x16x1024xf32, #tpu.memory_space<vmem>>
        %swap3A_1006 = tpu.memref_squeeze %swap3A_1005 : memref<1x16x1024xf32, #tpu.memory_space<vmem>> -> memref<16x1024xf32, #tpu.memory_space<vmem>>
        %swap3A_1007 = arith.index_cast %scan3A_191 : i32 to index
        %swap3A_1008 = arith.constant 800 : index
        %swap3A_1009 = tpu.vector_load %swap3A_1006[%swap3A_1007, %swap3A_1008] {strides = array<i32>} : memref<16x1024xf32, #tpu.memory_space<vmem>>, vector<16xf32>,
        tpu.vector_store %swap3A_1006[%swap3A_1007, %swap3A_1008], %mul3A_1002 {strides = array<i32>} : memref<16x1024xf32, #tpu.memory_space<vmem>>, vector<16xf32>,
        %get3A_1010 = arith.constant 0 : i32
        %get3A_1011 = arith.constant 0 : i32
        %get3A_1012 = tpu.memref_slice %arg8[%rem3A_133, %get3A_1010, %get3A_1011] : memref<6x16x1024xf32, #tpu.memory_space<vmem>> -> memref<1x16x1024xf32, #tpu.memory_space<vmem>>
        %get3A_1013 = tpu.memref_squeeze %get3A_1012 : memref<1x16x1024xf32, #tpu.memory_space<vmem>> -> memref<16x1024xf32, #tpu.memory_space<vmem>>
        %get3A_1014 = arith.index_cast %scan3A_191 : i32 to index
        %get3A_1015 = arith.constant 816 : index
        %get3A_1016 = tpu.vector_load %get3A_1013[%get3A_1014, %get3A_1015] {strides = array<i32>} : memref<16x1024xf32, #tpu.memory_space<vmem>>, vector<16xf32>,
        %sub3A_1017 = arith.subf %get3A_1016, %gather3A_193 : vector<16xf32>
        %mul3A_1018 = arith.mulf %sub3A_1017, %gather3A_194 : vector<16xf32>
        %swap3A_1019 = arith.constant 0 : i32
        %swap3A_1020 = arith.constant 0 : i32
        %swap3A_1021 = tpu.memref_slice %arg8[%rem3A_133, %swap3A_1019, %swap3A_1020] : memref<6x16x1024xf32, #tpu.memory_space<vmem>> -> memref<1x16x1024xf32, #tpu.memory_space<vmem>>
        %swap3A_1022 = tpu.memref_squeeze %swap3A_1021 : memref<1x16x1024xf32, #tpu.memory_space<vmem>> -> memref<16x1024xf32, #tpu.memory_space<vmem>>
        %swap3A_1023 = arith.index_cast %scan3A_191 : i32 to index
        %swap3A_1024 = arith.constant 816 : index
        %swap3A_1025 = tpu.vector_load %swap3A_1022[%swap3A_1023, %swap3A_1024] {strides = array<i32>} : memref<16x1024xf32, #tpu.memory_space<vmem>>, vector<16xf32>,
        tpu.vector_store %swap3A_1022[%swap3A_1023, %swap3A_1024], %mul3A_1018 {strides = array<i32>} : memref<16x1024xf32, #tpu.memory_space<vmem>>, vector<16xf32>,
        %get3A_1026 = arith.constant 0 : i32
        %get3A_1027 = arith.constant 0 : i32
        %get3A_1028 = tpu.memref_slice %arg8[%rem3A_133, %get3A_1026, %get3A_1027] : memref<6x16x1024xf32, #tpu.memory_space<vmem>> -> memref<1x16x1024xf32, #tpu.memory_space<vmem>>
        %get3A_1029 = tpu.memref_squeeze %get3A_1028 : memref<1x16x1024xf32, #tpu.memory_space<vmem>> -> memref<16x1024xf32, #tpu.memory_space<vmem>>
        %get3A_1030 = arith.index_cast %scan3A_191 : i32 to index
        %get3A_1031 = arith.constant 832 : index
        %get3A_1032 = tpu.vector_load %get3A_1029[%get3A_1030, %get3A_1031] {strides = array<i32>} : memref<16x1024xf32, #tpu.memory_space<vmem>>, vector<16xf32>,
        %sub3A_1033 = arith.subf %get3A_1032, %gather3A_193 : vector<16xf32>
        %mul3A_1034 = arith.mulf %sub3A_1033, %gather3A_194 : vector<16xf32>
        %swap3A_1035 = arith.constant 0 : i32
        %swap3A_1036 = arith.constant 0 : i32
        %swap3A_1037 = tpu.memref_slice %arg8[%rem3A_133, %swap3A_1035, %swap3A_1036] : memref<6x16x1024xf32, #tpu.memory_space<vmem>> -> memref<1x16x1024xf32, #tpu.memory_space<vmem>>
        %swap3A_1038 = tpu.memref_squeeze %swap3A_1037 : memref<1x16x1024xf32, #tpu.memory_space<vmem>> -> memref<16x1024xf32, #tpu.memory_space<vmem>>
        %swap3A_1039 = arith.index_cast %scan3A_191 : i32 to index
        %swap3A_1040 = arith.constant 832 : index
        %swap3A_1041 = tpu.vector_load %swap3A_1038[%swap3A_1039, %swap3A_1040] {strides = array<i32>} : memref<16x1024xf32, #tpu.memory_space<vmem>>, vector<16xf32>,
        tpu.vector_store %swap3A_1038[%swap3A_1039, %swap3A_1040], %mul3A_1034 {strides = array<i32>} : memref<16x1024xf32, #tpu.memory_space<vmem>>, vector<16xf32>,
        %get3A_1042 = arith.constant 0 : i32
        %get3A_1043 = arith.constant 0 : i32
        %get3A_1044 = tpu.memref_slice %arg8[%rem3A_133, %get3A_1042, %get3A_1043] : memref<6x16x1024xf32, #tpu.memory_space<vmem>> -> memref<1x16x1024xf32, #tpu.memory_space<vmem>>
        %get3A_1045 = tpu.memref_squeeze %get3A_1044 : memref<1x16x1024xf32, #tpu.memory_space<vmem>> -> memref<16x1024xf32, #tpu.memory_space<vmem>>
        %get3A_1046 = arith.index_cast %scan3A_191 : i32 to index
        %get3A_1047 = arith.constant 848 : index
        %get3A_1048 = tpu.vector_load %get3A_1045[%get3A_1046, %get3A_1047] {strides = array<i32>} : memref<16x1024xf32, #tpu.memory_space<vmem>>, vector<16xf32>,
        %sub3A_1049 = arith.subf %get3A_1048, %gather3A_193 : vector<16xf32>
        %mul3A_1050 = arith.mulf %sub3A_1049, %gather3A_194 : vector<16xf32>
        %swap3A_1051 = arith.constant 0 : i32
        %swap3A_1052 = arith.constant 0 : i32
        %swap3A_1053 = tpu.memref_slice %arg8[%rem3A_133, %swap3A_1051, %swap3A_1052] : memref<6x16x1024xf32, #tpu.memory_space<vmem>> -> memref<1x16x1024xf32, #tpu.memory_space<vmem>>
        %swap3A_1054 = tpu.memref_squeeze %swap3A_1053 : memref<1x16x1024xf32, #tpu.memory_space<vmem>> -> memref<16x1024xf32, #tpu.memory_space<vmem>>
        %swap3A_1055 = arith.index_cast %scan3A_191 : i32 to index
        %swap3A_1056 = arith.constant 848 : index
        %swap3A_1057 = tpu.vector_load %swap3A_1054[%swap3A_1055, %swap3A_1056] {strides = array<i32>} : memref<16x1024xf32, #tpu.memory_space<vmem>>, vector<16xf32>,
        tpu.vector_store %swap3A_1054[%swap3A_1055, %swap3A_1056], %mul3A_1050 {strides = array<i32>} : memref<16x1024xf32, #tpu.memory_space<vmem>>, vector<16xf32>,
        %get3A_1058 = arith.constant 0 : i32
        %get3A_1059 = arith.constant 0 : i32
        %get3A_1060 = tpu.memref_slice %arg8[%rem3A_133, %get3A_1058, %get3A_1059] : memref<6x16x1024xf32, #tpu.memory_space<vmem>> -> memref<1x16x1024xf32, #tpu.memory_space<vmem>>
        %get3A_1061 = tpu.memref_squeeze %get3A_1060 : memref<1x16x1024xf32, #tpu.memory_space<vmem>> -> memref<16x1024xf32, #tpu.memory_space<vmem>>
        %get3A_1062 = arith.index_cast %scan3A_191 : i32 to index
        %get3A_1063 = arith.constant 864 : index
        %get3A_1064 = tpu.vector_load %get3A_1061[%get3A_1062, %get3A_1063] {strides = array<i32>} : memref<16x1024xf32, #tpu.memory_space<vmem>>, vector<16xf32>,
        %sub3A_1065 = arith.subf %get3A_1064, %gather3A_193 : vector<16xf32>
        %mul3A_1066 = arith.mulf %sub3A_1065, %gather3A_194 : vector<16xf32>
        %swap3A_1067 = arith.constant 0 : i32
        %swap3A_1068 = arith.constant 0 : i32
        %swap3A_1069 = tpu.memref_slice %arg8[%rem3A_133, %swap3A_1067, %swap3A_1068] : memref<6x16x1024xf32, #tpu.memory_space<vmem>> -> memref<1x16x1024xf32, #tpu.memory_space<vmem>>
        %swap3A_1070 = tpu.memref_squeeze %swap3A_1069 : memref<1x16x1024xf32, #tpu.memory_space<vmem>> -> memref<16x1024xf32, #tpu.memory_space<vmem>>
        %swap3A_1071 = arith.index_cast %scan3A_191 : i32 to index
        %swap3A_1072 = arith.constant 864 : index
        %swap3A_1073 = tpu.vector_load %swap3A_1070[%swap3A_1071, %swap3A_1072] {strides = array<i32>} : memref<16x1024xf32, #tpu.memory_space<vmem>>, vector<16xf32>,
        tpu.vector_store %swap3A_1070[%swap3A_1071, %swap3A_1072], %mul3A_1066 {strides = array<i32>} : memref<16x1024xf32, #tpu.memory_space<vmem>>, vector<16xf32>,
        %get3A_1074 = arith.constant 0 : i32
        %get3A_1075 = arith.constant 0 : i32
        %get3A_1076 = tpu.memref_slice %arg8[%rem3A_133, %get3A_1074, %get3A_1075] : memref<6x16x1024xf32, #tpu.memory_space<vmem>> -> memref<1x16x1024xf32, #tpu.memory_space<vmem>>
        %get3A_1077 = tpu.memref_squeeze %get3A_1076 : memref<1x16x1024xf32, #tpu.memory_space<vmem>> -> memref<16x1024xf32, #tpu.memory_space<vmem>>
        %get3A_1078 = arith.index_cast %scan3A_191 : i32 to index
        %get3A_1079 = arith.constant 880 : index
        %get3A_1080 = tpu.vector_load %get3A_1077[%get3A_1078, %get3A_1079] {strides = array<i32>} : memref<16x1024xf32, #tpu.memory_space<vmem>>, vector<16xf32>,
        %sub3A_1081 = arith.subf %get3A_1080, %gather3A_193 : vector<16xf32>
        %mul3A_1082 = arith.mulf %sub3A_1081, %gather3A_194 : vector<16xf32>
        %swap3A_1083 = arith.constant 0 : i32
        %swap3A_1084 = arith.constant 0 : i32
        %swap3A_1085 = tpu.memref_slice %arg8[%rem3A_133, %swap3A_1083, %swap3A_1084] : memref<6x16x1024xf32, #tpu.memory_space<vmem>> -> memref<1x16x1024xf32, #tpu.memory_space<vmem>>
        %swap3A_1086 = tpu.memref_squeeze %swap3A_1085 : memref<1x16x1024xf32, #tpu.memory_space<vmem>> -> memref<16x1024xf32, #tpu.memory_space<vmem>>
        %swap3A_1087 = arith.index_cast %scan3A_191 : i32 to index
        %swap3A_1088 = arith.constant 880 : index
        %swap3A_1089 = tpu.vector_load %swap3A_1086[%swap3A_1087, %swap3A_1088] {strides = array<i32>} : memref<16x1024xf32, #tpu.memory_space<vmem>>, vector<16xf32>,
        tpu.vector_store %swap3A_1086[%swap3A_1087, %swap3A_1088], %mul3A_1082 {strides = array<i32>} : memref<16x1024xf32, #tpu.memory_space<vmem>>, vector<16xf32>,
        %get3A_1090 = arith.constant 0 : i32
        %get3A_1091 = arith.constant 0 : i32
        %get3A_1092 = tpu.memref_slice %arg8[%rem3A_133, %get3A_1090, %get3A_1091] : memref<6x16x1024xf32, #tpu.memory_space<vmem>> -> memref<1x16x1024xf32, #tpu.memory_space<vmem>>
        %get3A_1093 = tpu.memref_squeeze %get3A_1092 : memref<1x16x1024xf32, #tpu.memory_space<vmem>> -> memref<16x1024xf32, #tpu.memory_space<vmem>>
        %get3A_1094 = arith.index_cast %scan3A_191 : i32 to index
        %get3A_1095 = arith.constant 896 : index
        %get3A_1096 = tpu.vector_load %get3A_1093[%get3A_1094, %get3A_1095] {strides = array<i32>} : memref<16x1024xf32, #tpu.memory_space<vmem>>, vector<16xf32>,
        %sub3A_1097 = arith.subf %get3A_1096, %gather3A_193 : vector<16xf32>
        %mul3A_1098 = arith.mulf %sub3A_1097, %gather3A_194 : vector<16xf32>
        %swap3A_1099 = arith.constant 0 : i32
        %swap3A_1100 = arith.constant 0 : i32
        %swap3A_1101 = tpu.memref_slice %arg8[%rem3A_133, %swap3A_1099, %swap3A_1100] : memref<6x16x1024xf32, #tpu.memory_space<vmem>> -> memref<1x16x1024xf32, #tpu.memory_space<vmem>>
        %swap3A_1102 = tpu.memref_squeeze %swap3A_1101 : memref<1x16x1024xf32, #tpu.memory_space<vmem>> -> memref<16x1024xf32, #tpu.memory_space<vmem>>
        %swap3A_1103 = arith.index_cast %scan3A_191 : i32 to index
        %swap3A_1104 = arith.constant 896 : index
        %swap3A_1105 = tpu.vector_load %swap3A_1102[%swap3A_1103, %swap3A_1104] {strides = array<i32>} : memref<16x1024xf32, #tpu.memory_space<vmem>>, vector<16xf32>,
        tpu.vector_store %swap3A_1102[%swap3A_1103, %swap3A_1104], %mul3A_1098 {strides = array<i32>} : memref<16x1024xf32, #tpu.memory_space<vmem>>, vector<16xf32>,
        %get3A_1106 = arith.constant 0 : i32
        %get3A_1107 = arith.constant 0 : i32
        %get3A_1108 = tpu.memref_slice %arg8[%rem3A_133, %get3A_1106, %get3A_1107] : memref<6x16x1024xf32, #tpu.memory_space<vmem>> -> memref<1x16x1024xf32, #tpu.memory_space<vmem>>
        %get3A_1109 = tpu.memref_squeeze %get3A_1108 : memref<1x16x1024xf32, #tpu.memory_space<vmem>> -> memref<16x1024xf32, #tpu.memory_space<vmem>>
        %get3A_1110 = arith.index_cast %scan3A_191 : i32 to index
        %get3A_1111 = arith.constant 912 : index
        %get3A_1112 = tpu.vector_load %get3A_1109[%get3A_1110, %get3A_1111] {strides = array<i32>} : memref<16x1024xf32, #tpu.memory_space<vmem>>, vector<16xf32>,
        %sub3A_1113 = arith.subf %get3A_1112, %gather3A_193 : vector<16xf32>
        %mul3A_1114 = arith.mulf %sub3A_1113, %gather3A_194 : vector<16xf32>
        %swap3A_1115 = arith.constant 0 : i32
        %swap3A_1116 = arith.constant 0 : i32
        %swap3A_1117 = tpu.memref_slice %arg8[%rem3A_133, %swap3A_1115, %swap3A_1116] : memref<6x16x1024xf32, #tpu.memory_space<vmem>> -> memref<1x16x1024xf32, #tpu.memory_space<vmem>>
        %swap3A_1118 = tpu.memref_squeeze %swap3A_1117 : memref<1x16x1024xf32, #tpu.memory_space<vmem>> -> memref<16x1024xf32, #tpu.memory_space<vmem>>
        %swap3A_1119 = arith.index_cast %scan3A_191 : i32 to index
        %swap3A_1120 = arith.constant 912 : index
        %swap3A_1121 = tpu.vector_load %swap3A_1118[%swap3A_1119, %swap3A_1120] {strides = array<i32>} : memref<16x1024xf32, #tpu.memory_space<vmem>>, vector<16xf32>,
        tpu.vector_store %swap3A_1118[%swap3A_1119, %swap3A_1120], %mul3A_1114 {strides = array<i32>} : memref<16x1024xf32, #tpu.memory_space<vmem>>, vector<16xf32>,
        %get3A_1122 = arith.constant 0 : i32
        %get3A_1123 = arith.constant 0 : i32
        %get3A_1124 = tpu.memref_slice %arg8[%rem3A_133, %get3A_1122, %get3A_1123] : memref<6x16x1024xf32, #tpu.memory_space<vmem>> -> memref<1x16x1024xf32, #tpu.memory_space<vmem>>
        %get3A_1125 = tpu.memref_squeeze %get3A_1124 : memref<1x16x1024xf32, #tpu.memory_space<vmem>> -> memref<16x1024xf32, #tpu.memory_space<vmem>>
        %get3A_1126 = arith.index_cast %scan3A_191 : i32 to index
        %get3A_1127 = arith.constant 928 : index
        %get3A_1128 = tpu.vector_load %get3A_1125[%get3A_1126, %get3A_1127] {strides = array<i32>} : memref<16x1024xf32, #tpu.memory_space<vmem>>, vector<16xf32>,
        %sub3A_1129 = arith.subf %get3A_1128, %gather3A_193 : vector<16xf32>
        %mul3A_1130 = arith.mulf %sub3A_1129, %gather3A_194 : vector<16xf32>
        %swap3A_1131 = arith.constant 0 : i32
        %swap3A_1132 = arith.constant 0 : i32
        %swap3A_1133 = tpu.memref_slice %arg8[%rem3A_133, %swap3A_1131, %swap3A_1132] : memref<6x16x1024xf32, #tpu.memory_space<vmem>> -> memref<1x16x1024xf32, #tpu.memory_space<vmem>>
        %swap3A_1134 = tpu.memref_squeeze %swap3A_1133 : memref<1x16x1024xf32, #tpu.memory_space<vmem>> -> memref<16x1024xf32, #tpu.memory_space<vmem>>
        %swap3A_1135 = arith.index_cast %scan3A_191 : i32 to index
        %swap3A_1136 = arith.constant 928 : index
        %swap3A_1137 = tpu.vector_load %swap3A_1134[%swap3A_1135, %swap3A_1136] {strides = array<i32>} : memref<16x1024xf32, #tpu.memory_space<vmem>>, vector<16xf32>,
        tpu.vector_store %swap3A_1134[%swap3A_1135, %swap3A_1136], %mul3A_1130 {strides = array<i32>} : memref<16x1024xf32, #tpu.memory_space<vmem>>, vector<16xf32>,
        %get3A_1138 = arith.constant 0 : i32
        %get3A_1139 = arith.constant 0 : i32
        %get3A_1140 = tpu.memref_slice %arg8[%rem3A_133, %get3A_1138, %get3A_1139] : memref<6x16x1024xf32, #tpu.memory_space<vmem>> -> memref<1x16x1024xf32, #tpu.memory_space<vmem>>
        %get3A_1141 = tpu.memref_squeeze %get3A_1140 : memref<1x16x1024xf32, #tpu.memory_space<vmem>> -> memref<16x1024xf32, #tpu.memory_space<vmem>>
        %get3A_1142 = arith.index_cast %scan3A_191 : i32 to index
        %get3A_1143 = arith.constant 944 : index
        %get3A_1144 = tpu.vector_load %get3A_1141[%get3A_1142, %get3A_1143] {strides = array<i32>} : memref<16x1024xf32, #tpu.memory_space<vmem>>, vector<16xf32>,
        %sub3A_1145 = arith.subf %get3A_1144, %gather3A_193 : vector<16xf32>
        %mul3A_1146 = arith.mulf %sub3A_1145, %gather3A_194 : vector<16xf32>
        %swap3A_1147 = arith.constant 0 : i32
        %swap3A_1148 = arith.constant 0 : i32
        %swap3A_1149 = tpu.memref_slice %arg8[%rem3A_133, %swap3A_1147, %swap3A_1148] : memref<6x16x1024xf32, #tpu.memory_space<vmem>> -> memref<1x16x1024xf32, #tpu.memory_space<vmem>>
        %swap3A_1150 = tpu.memref_squeeze %swap3A_1149 : memref<1x16x1024xf32, #tpu.memory_space<vmem>> -> memref<16x1024xf32, #tpu.memory_space<vmem>>
        %swap3A_1151 = arith.index_cast %scan3A_191 : i32 to index
        %swap3A_1152 = arith.constant 944 : index
        %swap3A_1153 = tpu.vector_load %swap3A_1150[%swap3A_1151, %swap3A_1152] {strides = array<i32>} : memref<16x1024xf32, #tpu.memory_space<vmem>>, vector<16xf32>,
        tpu.vector_store %swap3A_1150[%swap3A_1151, %swap3A_1152], %mul3A_1146 {strides = array<i32>} : memref<16x1024xf32, #tpu.memory_space<vmem>>, vector<16xf32>,
        %get3A_1154 = arith.constant 0 : i32
        %get3A_1155 = arith.constant 0 : i32
        %get3A_1156 = tpu.memref_slice %arg8[%rem3A_133, %get3A_1154, %get3A_1155] : memref<6x16x1024xf32, #tpu.memory_space<vmem>> -> memref<1x16x1024xf32, #tpu.memory_space<vmem>>
        %get3A_1157 = tpu.memref_squeeze %get3A_1156 : memref<1x16x1024xf32, #tpu.memory_space<vmem>> -> memref<16x1024xf32, #tpu.memory_space<vmem>>
        %get3A_1158 = arith.index_cast %scan3A_191 : i32 to index
        %get3A_1159 = arith.constant 960 : index
        %get3A_1160 = tpu.vector_load %get3A_1157[%get3A_1158, %get3A_1159] {strides = array<i32>} : memref<16x1024xf32, #tpu.memory_space<vmem>>, vector<16xf32>,
        %sub3A_1161 = arith.subf %get3A_1160, %gather3A_193 : vector<16xf32>
        %mul3A_1162 = arith.mulf %sub3A_1161, %gather3A_194 : vector<16xf32>
        %swap3A_1163 = arith.constant 0 : i32
        %swap3A_1164 = arith.constant 0 : i32
        %swap3A_1165 = tpu.memref_slice %arg8[%rem3A_133, %swap3A_1163, %swap3A_1164] : memref<6x16x1024xf32, #tpu.memory_space<vmem>> -> memref<1x16x1024xf32, #tpu.memory_space<vmem>>
        %swap3A_1166 = tpu.memref_squeeze %swap3A_1165 : memref<1x16x1024xf32, #tpu.memory_space<vmem>> -> memref<16x1024xf32, #tpu.memory_space<vmem>>
        %swap3A_1167 = arith.index_cast %scan3A_191 : i32 to index
        %swap3A_1168 = arith.constant 960 : index
        %swap3A_1169 = tpu.vector_load %swap3A_1166[%swap3A_1167, %swap3A_1168] {strides = array<i32>} : memref<16x1024xf32, #tpu.memory_space<vmem>>, vector<16xf32>,
        tpu.vector_store %swap3A_1166[%swap3A_1167, %swap3A_1168], %mul3A_1162 {strides = array<i32>} : memref<16x1024xf32, #tpu.memory_space<vmem>>, vector<16xf32>,
        %get3A_1170 = arith.constant 0 : i32
        %get3A_1171 = arith.constant 0 : i32
        %get3A_1172 = tpu.memref_slice %arg8[%rem3A_133, %get3A_1170, %get3A_1171] : memref<6x16x1024xf32, #tpu.memory_space<vmem>> -> memref<1x16x1024xf32, #tpu.memory_space<vmem>>
        %get3A_1173 = tpu.memref_squeeze %get3A_1172 : memref<1x16x1024xf32, #tpu.memory_space<vmem>> -> memref<16x1024xf32, #tpu.memory_space<vmem>>
        %get3A_1174 = arith.index_cast %scan3A_191 : i32 to index
        %get3A_1175 = arith.constant 976 : index
        %get3A_1176 = tpu.vector_load %get3A_1173[%get3A_1174, %get3A_1175] {strides = array<i32>} : memref<16x1024xf32, #tpu.memory_space<vmem>>, vector<16xf32>,
        %sub3A_1177 = arith.subf %get3A_1176, %gather3A_193 : vector<16xf32>
        %mul3A_1178 = arith.mulf %sub3A_1177, %gather3A_194 : vector<16xf32>
        %swap3A_1179 = arith.constant 0 : i32
        %swap3A_1180 = arith.constant 0 : i32
        %swap3A_1181 = tpu.memref_slice %arg8[%rem3A_133, %swap3A_1179, %swap3A_1180] : memref<6x16x1024xf32, #tpu.memory_space<vmem>> -> memref<1x16x1024xf32, #tpu.memory_space<vmem>>
        %swap3A_1182 = tpu.memref_squeeze %swap3A_1181 : memref<1x16x1024xf32, #tpu.memory_space<vmem>> -> memref<16x1024xf32, #tpu.memory_space<vmem>>
        %swap3A_1183 = arith.index_cast %scan3A_191 : i32 to index
        %swap3A_1184 = arith.constant 976 : index
        %swap3A_1185 = tpu.vector_load %swap3A_1182[%swap3A_1183, %swap3A_1184] {strides = array<i32>} : memref<16x1024xf32, #tpu.memory_space<vmem>>, vector<16xf32>,
        tpu.vector_store %swap3A_1182[%swap3A_1183, %swap3A_1184], %mul3A_1178 {strides = array<i32>} : memref<16x1024xf32, #tpu.memory_space<vmem>>, vector<16xf32>,
        %get3A_1186 = arith.constant 0 : i32
        %get3A_1187 = arith.constant 0 : i32
        %get3A_1188 = tpu.memref_slice %arg8[%rem3A_133, %get3A_1186, %get3A_1187] : memref<6x16x1024xf32, #tpu.memory_space<vmem>> -> memref<1x16x1024xf32, #tpu.memory_space<vmem>>
        %get3A_1189 = tpu.memref_squeeze %get3A_1188 : memref<1x16x1024xf32, #tpu.memory_space<vmem>> -> memref<16x1024xf32, #tpu.memory_space<vmem>>
        %get3A_1190 = arith.index_cast %scan3A_191 : i32 to index
        %get3A_1191 = arith.constant 992 : index
        %get3A_1192 = tpu.vector_load %get3A_1189[%get3A_1190, %get3A_1191] {strides = array<i32>} : memref<16x1024xf32, #tpu.memory_space<vmem>>, vector<16xf32>,
        %sub3A_1193 = arith.subf %get3A_1192, %gather3A_193 : vector<16xf32>
        %mul3A_1194 = arith.mulf %sub3A_1193, %gather3A_194 : vector<16xf32>
        %swap3A_1195 = arith.constant 0 : i32
        %swap3A_1196 = arith.constant 0 : i32
        %swap3A_1197 = tpu.memref_slice %arg8[%rem3A_133, %swap3A_1195, %swap3A_1196] : memref<6x16x1024xf32, #tpu.memory_space<vmem>> -> memref<1x16x1024xf32, #tpu.memory_space<vmem>>
        %swap3A_1198 = tpu.memref_squeeze %swap3A_1197 : memref<1x16x1024xf32, #tpu.memory_space<vmem>> -> memref<16x1024xf32, #tpu.memory_space<vmem>>
        %swap3A_1199 = arith.index_cast %scan3A_191 : i32 to index
        %swap3A_1200 = arith.constant 992 : index
        %swap3A_1201 = tpu.vector_load %swap3A_1198[%swap3A_1199, %swap3A_1200] {strides = array<i32>} : memref<16x1024xf32, #tpu.memory_space<vmem>>, vector<16xf32>,
        tpu.vector_store %swap3A_1198[%swap3A_1199, %swap3A_1200], %mul3A_1194 {strides = array<i32>} : memref<16x1024xf32, #tpu.memory_space<vmem>>, vector<16xf32>,
        %get3A_1202 = arith.constant 0 : i32
        %get3A_1203 = arith.constant 0 : i32
        %get3A_1204 = tpu.memref_slice %arg8[%rem3A_133, %get3A_1202, %get3A_1203] : memref<6x16x1024xf32, #tpu.memory_space<vmem>> -> memref<1x16x1024xf32, #tpu.memory_space<vmem>>
        %get3A_1205 = tpu.memref_squeeze %get3A_1204 : memref<1x16x1024xf32, #tpu.memory_space<vmem>> -> memref<16x1024xf32, #tpu.memory_space<vmem>>
        %get3A_1206 = arith.index_cast %scan3A_191 : i32 to index
        %get3A_1207 = arith.constant 1008 : index
        %get3A_1208 = tpu.vector_load %get3A_1205[%get3A_1206, %get3A_1207] {strides = array<i32>} : memref<16x1024xf32, #tpu.memory_space<vmem>>, vector<16xf32>,
        %sub3A_1209 = arith.subf %get3A_1208, %gather3A_193 : vector<16xf32>
        %mul3A_1210 = arith.mulf %sub3A_1209, %gather3A_194 : vector<16xf32>
        %swap3A_1211 = arith.constant 0 : i32
        %swap3A_1212 = arith.constant 0 : i32
        %swap3A_1213 = tpu.memref_slice %arg8[%rem3A_133, %swap3A_1211, %swap3A_1212] : memref<6x16x1024xf32, #tpu.memory_space<vmem>> -> memref<1x16x1024xf32, #tpu.memory_space<vmem>>
        %swap3A_1214 = tpu.memref_squeeze %swap3A_1213 : memref<1x16x1024xf32, #tpu.memory_space<vmem>> -> memref<16x1024xf32, #tpu.memory_space<vmem>>
        %swap3A_1215 = arith.index_cast %scan3A_191 : i32 to index
        %swap3A_1216 = arith.constant 1008 : index
        %swap3A_1217 = tpu.vector_load %swap3A_1214[%swap3A_1215, %swap3A_1216] {strides = array<i32>} : memref<16x1024xf32, #tpu.memory_space<vmem>>, vector<16xf32>,
        tpu.vector_store %swap3A_1214[%swap3A_1215, %swap3A_1216], %mul3A_1210 {strides = array<i32>} : memref<16x1024xf32, #tpu.memory_space<vmem>>, vector<16xf32>,
      }
      %scan3A_173 = arith.constant 16 : i32
      %mul3A_174 = arith.constant 16 : i32
      %mul3A_175 = arith.muli %scan3A_132, %mul3A_174 : i32
      %add3A_176 = arith.addi %mul3A_2, %mul3A_175 : i32
      %dma_start3A_177 = arith.constant 0 : i32
      %dma_start3A_178 = arith.constant 0 : i32
      %dma_start3A_179 = tpu.memref_slice %arg8[%rem3A_133, %dma_start3A_177, %dma_start3A_178] : memref<6x16x1024xf32, #tpu.memory_space<vmem>> -> memref<1x16x1024xf32, #tpu.memory_space<vmem>>
      %dma_start3A_180 = tpu.memref_squeeze %dma_start3A_179 : memref<1x16x1024xf32, #tpu.memory_space<vmem>> -> memref<16x1024xf32, #tpu.memory_space<vmem>>
      %dma_start3A_181 = arith.constant 0 : i32
      %dma_start3A_182 = tpu.memref_slice %arg4[%add3A_176, %dma_start3A_181] : memref<32768x1024xf32, #tpu.memory_space<hbm>> -> memref<16x1024xf32, #tpu.memory_space<hbm>>
      %dma_start3A_183 = tpu.memref_slice %arg10[%rem3A_133] : memref<6x!tpu.dma_semaphore, #tpu.memory_space<semaphore_mem>> -> memref<1x!tpu.dma_semaphore, #tpu.memory_space<semaphore_mem>>
      %dma_start3A_184 = tpu.memref_squeeze %dma_start3A_183 : memref<1x!tpu.dma_semaphore, #tpu.memory_space<semaphore_mem>> -> memref<!tpu.dma_semaphore, #tpu.memory_space<semaphore_mem>>
      %dma_start3A_185 = arith.constant 0 : i32
      %dma_start3A_186 = tpu.memref_slice %arg4[%add3A_176, %dma_start3A_185] : memref<32768x1024xf32, #tpu.memory_space<hbm>> -> memref<16x1024xf32, #tpu.memory_space<hbm>>
      %dma_start3A_187 = arith.constant 0 : i32
      %dma_start3A_188 = arith.constant 0 : i32
      %dma_start3A_189 = tpu.memref_slice %arg8[%rem3A_133, %dma_start3A_187, %dma_start3A_188] : memref<6x16x1024xf32, #tpu.memory_space<vmem>> -> memref<1x16x1024xf32, #tpu.memory_space<vmem>>
      %dma_start3A_190 = tpu.memref_squeeze %dma_start3A_189 : memref<1x16x1024xf32, #tpu.memory_space<vmem>> -> memref<16x1024xf32, #tpu.memory_space<vmem>>
      tpu.enqueue_dma source(%dma_start3A_190 : memref<16x1024xf32, #tpu.memory_space<vmem>>) target(%dma_start3A_186 : memref<16x1024xf32, #tpu.memory_space<hbm>>) target_semaphore(%dma_start3A_184 : memref<!tpu.dma_semaphore, #tpu.memory_space<semaphore_mem>>)
    }
    %scan3A_78 = arith.constant 64 : i32
    %add3A_79 = arith.constant 976 : i32
    %add3A_80 = arith.addi %mul3A_2, %add3A_79 : i32
    %dma_wait3A = arith.constant 1 : i32
    %dma_wait3A_81 = arith.constant 1 : i32
    %dma_wait3A_82 = arith.constant 0 : i32
    %dma_wait3A_83 = arith.constant 0 : i32
    %dma_wait3A_84 = tpu.memref_slice %arg8[%dma_wait3A, %dma_wait3A_82, %dma_wait3A_83] : memref<6x16x1024xf32, #tpu.memory_space<vmem>> -> memref<1x16x1024xf32, #tpu.memory_space<vmem>>
    %dma_wait3A_85 = tpu.memref_squeeze %dma_wait3A_84 : memref<1x16x1024xf32, #tpu.memory_space<vmem>> -> memref<16x1024xf32, #tpu.memory_space<vmem>>
    %dma_wait3A_86 = arith.constant 0 : i32
    %dma_wait3A_87 = tpu.memref_slice %arg4[%add3A_80, %dma_wait3A_86] : memref<32768x1024xf32, #tpu.memory_space<hbm>> -> memref<16x1024xf32, #tpu.memory_space<hbm>>
    %dma_wait3A_88 = tpu.memref_slice %arg10[%dma_wait3A_81] : memref<6x!tpu.dma_semaphore, #tpu.memory_space<semaphore_mem>> -> memref<1x!tpu.dma_semaphore, #tpu.memory_space<semaphore_mem>>
    %dma_wait3A_89 = tpu.memref_squeeze %dma_wait3A_88 : memref<1x!tpu.dma_semaphore, #tpu.memory_space<semaphore_mem>> -> memref<!tpu.dma_semaphore, #tpu.memory_space<semaphore_mem>>
    %dma_wait3A_90 = arith.constant 0 : i32
    %dma_wait3A_91 = tpu.memref_slice %arg4[%add3A_80, %dma_wait3A_90] : memref<32768x1024xf32, #tpu.memory_space<hbm>> -> memref<16x1024xf32, #tpu.memory_space<hbm>>
    %dma_wait3A_92 = arith.constant 0 : i32
    %dma_wait3A_93 = arith.constant 0 : i32
    %dma_wait3A_94 = tpu.memref_slice %arg8[%dma_wait3A, %dma_wait3A_92, %dma_wait3A_93] : memref<6x16x1024xf32, #tpu.memory_space<vmem>> -> memref<1x16x1024xf32, #tpu.memory_space<vmem>>
    %dma_wait3A_95 = tpu.memref_squeeze %dma_wait3A_94 : memref<1x16x1024xf32, #tpu.memory_space<vmem>> -> memref<16x1024xf32, #tpu.memory_space<vmem>>
    tpu.wait_dma2 semaphore(%dma_wait3A_89 : memref<!tpu.dma_semaphore, #tpu.memory_space<semaphore_mem>>) src(%dma_wait3A_95 : memref<16x1024xf32, #tpu.memory_space<vmem>>) dst(%dma_wait3A_91 : memref<16x1024xf32, #tpu.memory_space<hbm>>)
    %add3A_96 = arith.constant 992 : i32
    %add3A_97 = arith.addi %mul3A_2, %add3A_96 : i32
    %dma_wait3A_98 = arith.constant 2 : i32
    %dma_wait3A_99 = arith.constant 2 : i32
    %dma_wait3A_100 = arith.constant 0 : i32
    %dma_wait3A_101 = arith.constant 0 : i32
    %dma_wait3A_102 = tpu.memref_slice %arg8[%dma_wait3A_98, %dma_wait3A_100, %dma_wait3A_101] : memref<6x16x1024xf32, #tpu.memory_space<vmem>> -> memref<1x16x1024xf32, #tpu.memory_space<vmem>>
    %dma_wait3A_103 = tpu.memref_squeeze %dma_wait3A_102 : memref<1x16x1024xf32, #tpu.memory_space<vmem>> -> memref<16x1024xf32, #tpu.memory_space<vmem>>
    %dma_wait3A_104 = arith.constant 0 : i32
    %dma_wait3A_105 = tpu.memref_slice %arg4[%add3A_97, %dma_wait3A_104] : memref<32768x1024xf32, #tpu.memory_space<hbm>> -> memref<16x1024xf32, #tpu.memory_space<hbm>>
    %dma_wait3A_106 = tpu.memref_slice %arg10[%dma_wait3A_99] : memref<6x!tpu.dma_semaphore, #tpu.memory_space<semaphore_mem>> -> memref<1x!tpu.dma_semaphore, #tpu.memory_space<semaphore_mem>>
    %dma_wait3A_107 = tpu.memref_squeeze %dma_wait3A_106 : memref<1x!tpu.dma_semaphore, #tpu.memory_space<semaphore_mem>> -> memref<!tpu.dma_semaphore, #tpu.memory_space<semaphore_mem>>
    %dma_wait3A_108 = arith.constant 0 : i32
    %dma_wait3A_109 = tpu.memref_slice %arg4[%add3A_97, %dma_wait3A_108] : memref<32768x1024xf32, #tpu.memory_space<hbm>> -> memref<16x1024xf32, #tpu.memory_space<hbm>>
    %dma_wait3A_110 = arith.constant 0 : i32
    %dma_wait3A_111 = arith.constant 0 : i32
    %dma_wait3A_112 = tpu.memref_slice %arg8[%dma_wait3A_98, %dma_wait3A_110, %dma_wait3A_111] : memref<6x16x1024xf32, #tpu.memory_space<vmem>> -> memref<1x16x1024xf32, #tpu.memory_space<vmem>>
    %dma_wait3A_113 = tpu.memref_squeeze %dma_wait3A_112 : memref<1x16x1024xf32, #tpu.memory_space<vmem>> -> memref<16x1024xf32, #tpu.memory_space<vmem>>
    tpu.wait_dma2 semaphore(%dma_wait3A_107 : memref<!tpu.dma_semaphore, #tpu.memory_space<semaphore_mem>>) src(%dma_wait3A_113 : memref<16x1024xf32, #tpu.memory_space<vmem>>) dst(%dma_wait3A_109 : memref<16x1024xf32, #tpu.memory_space<hbm>>)
    %add3A_114 = arith.constant 1008 : i32
    %add3A_115 = arith.addi %mul3A_2, %add3A_114 : i32
    %dma_wait3A_116 = arith.constant 3 : i32
    %dma_wait3A_117 = arith.constant 3 : i32
    %dma_wait3A_118 = arith.constant 0 : i32
    %dma_wait3A_119 = arith.constant 0 : i32
    %dma_wait3A_120 = tpu.memref_slice %arg8[%dma_wait3A_116, %dma_wait3A_118, %dma_wait3A_119] : memref<6x16x1024xf32, #tpu.memory_space<vmem>> -> memref<1x16x1024xf32, #tpu.memory_space<vmem>>
    %dma_wait3A_121 = tpu.memref_squeeze %dma_wait3A_120 : memref<1x16x1024xf32, #tpu.memory_space<vmem>> -> memref<16x1024xf32, #tpu.memory_space<vmem>>
    %dma_wait3A_122 = arith.constant 0 : i32
    %dma_wait3A_123 = tpu.memref_slice %arg4[%add3A_115, %dma_wait3A_122] : memref<32768x1024xf32, #tpu.memory_space<hbm>> -> memref<16x1024xf32, #tpu.memory_space<hbm>>
    %dma_wait3A_124 = tpu.memref_slice %arg10[%dma_wait3A_117] : memref<6x!tpu.dma_semaphore, #tpu.memory_space<semaphore_mem>> -> memref<1x!tpu.dma_semaphore, #tpu.memory_space<semaphore_mem>>
    %dma_wait3A_125 = tpu.memref_squeeze %dma_wait3A_124 : memref<1x!tpu.dma_semaphore, #tpu.memory_space<semaphore_mem>> -> memref<!tpu.dma_semaphore, #tpu.memory_space<semaphore_mem>>
    %dma_wait3A_126 = arith.constant 0 : i32
    %dma_wait3A_127 = tpu.memref_slice %arg4[%add3A_115, %dma_wait3A_126] : memref<32768x1024xf32, #tpu.memory_space<hbm>> -> memref<16x1024xf32, #tpu.memory_space<hbm>>
    %dma_wait3A_128 = arith.constant 0 : i32
    %dma_wait3A_129 = arith.constant 0 : i32
    %dma_wait3A_130 = tpu.memref_slice %arg8[%dma_wait3A_116, %dma_wait3A_128, %dma_wait3A_129] : memref<6x16x1024xf32, #tpu.memory_space<vmem>> -> memref<1x16x1024xf32, #tpu.memory_space<vmem>>
    %dma_wait3A_131 = tpu.memref_squeeze %dma_wait3A_130 : memref<1x16x1024xf32, #tpu.memory_space<vmem>> -> memref<16x1024xf32, #tpu.memory_space<vmem>>
    tpu.wait_dma2 semaphore(%dma_wait3A_125 : memref<!tpu.dma_semaphore, #tpu.memory_space<semaphore_mem>>) src(%dma_wait3A_131 : memref<16x1024xf32, #tpu.memory_space<vmem>>) dst(%dma_wait3A_127 : memref<16x1024xf32, #tpu.memory_space<hbm>>)
    return
  }
}

</mosaic_0001>

<sc_bundles>
// kernel: kernel.3.cloned.1.call-start
scs
__scs_entry_jumppad:
0x0: {  	(pc) =	sbr.rel $0x88, $3  }
0x1: {  	(tag) =	ssettag $0x0;
	lr =	simm.s32 $0x1  }
0x2: {  	[smem:$0x3F9C] =	sst lr;
	_ =	strace $0xD0000000  }
0x3: {  	_ = 	snop  }
0x4: {  	_ = 	snop  }
0x5: {  	_ = 	snop  }
0x6: {  	_ = 	snop  }
0x7: {  	_ = 	snop  }
__scs_overlays_trampoline_lowered:
0x8: {  	[smem:$0x3FAB] =	sst s0  }
0x9: {  	[smem:$0x3FAC] =	sst s1  }
0xa: {  	[smem:$0x3FAD] =	sst s2  }
0xb: {  	[smem:$0x3FAE] =	sst s3  }
0xc: {  	[smem:$0x3FAF] =	sst s4  }
0xd: {  	[smem:$0x3FB0] =	sst s5  }
0xe: {  	[smem:$0x3FB1] =	sst s6  }
0xf: {  	[smem:$0x3FB2] =	sst s7  }
0x10: {  	[smem:$0x3FB3] =	sst s8  }
0x11: {  	[smem:$0x3FB4] =	sst s9;
	s0 =	simm.s32 @!p0 $0x0  }
0x12: {  	s1 =	sld [smem:$0x3F9A];
	s0 =	simm.s32 @p0 $0x1  }
0x13: {  	[smem:$0x3FB5] =	sst s0;
	s0 =	simm.s32 @!p1 $0x0  }
0x14: {  	s2 =	sld [smem:$0x3F99];
	s0 =	simm.s32 @p1 $0x1  }
0x15: {  	[smem:$0x3FB6] =	sst s0;
	s0 =	simm.s32 @!p2 $0x0  }
0x16: {  	s3 =	sld [smem:$0x3FDB];
	s0 =	simm.s32 @p2 $0x1  }
0x17: {  	s4 =	simm.s32 $0x1BF5;
	[smem:$0x3FB8] =	sst s0  }
0x18: {  	s0 =	sld [smem:$0x3F9B];
	_ =	swait.ge [sflag:s4], $0x0  }
0x19: {  	s7 =	sld [smem:$0x3F9C]  }
0x1a: {  	s8 =	sadd.s32 $0xFFFFE003, lr  }
0x1b: {  	s9 =	sadd.s32 $0xFFFFFEF7, lr;
	s5 =	simm.s32 $0xFFFFFFFF;
	p2 =	slt.u32 s8, $0xFFFFF086  }
0x1c: {  	p1 =	slt.u32 s9, $0xF7A;
	s5 =	simm.s32 @!p2 $0x0  }
0x1d: {  	s5 =	simm.s32 @p1 $0x1;
	p0 =	seq.s32 s7, s2  }
0x1e: {  	s7 =	smul.u32 @!p0 $0xF7A, s2;
	p2 =	seq.s32 @!p0 s5, $0x0  }
0x1f: {  	s9 =	smul.u32 $0xF7A, s1;
	s8 =	simm.s32 @!p0 $0x1BF5;
	p2 =	por !p2, p0  }
0x20: {  	[sflag:s8] =	ssyncset.s32 @!p0 $0xFFFFF086;
	s6 =	sadd.s32 @!p0 s3, s7;
	s7 =	simm.s32 @!p0 $0x108  }
0x21: {  	s3 =	sadd.s32 s3, s9;
	s6 =	sadd.s32 @!p0 $0x88, s6;
	s7 =	simm.s32 @p2 $0x1082  }
0x22: {  	[simem:s7], [sflag:s8] =	dma.local @!p0 [hbm:s6], $0xF7A  }
0x23: {  	s9 =	sor.u32 $0xD0000000, s2;
	s6 =	simm.s32 $0x108;
	_ =	swait.ge @!p0 [sflag:s8], $0x0  }
0x24: {  	s3 =	sadd.s32 $0x88, s3;
	s6 =	simm.s32 @!p1 $0x1082;
	[sflag:s4] =	ssyncset.s32 $0xFFFFF086  }
0x25: {  	[simem:s6], [sflag:s4] =	dma.local [hbm:s3], $0xF7A  }
0x26: {  	[smem:$0x3F9C] =	sst s1;
	(tag) =	ssettag s2;
	_ =	strace s9  }
0x27: {  	s1 =	sld [smem:$0x3FAC]  }
0x28: {  	s2 =	sld [smem:$0x3FAD]  }
0x29: {  	s4 =	sld [smem:$0x3FAF]  }
0x2a: {  	p0 =	seq.s32 s5, $0x0;
	s5 =	sld [smem:$0x3FB0]  }
0x2b: {  	s6 =	sld [smem:$0x3FB1]  }
0x2c: {  	s7 =	sld [smem:$0x3FB2]  }
0x2d: {  	s3 =	simm.s32 $0x108;
	s8 =	sld [smem:$0x3FB3]  }
0x2e: {  	s3 =	simm.s32 @!p0 $0x1082;
	s9 =	sld [smem:$0x3FB4]  }
0x2f: {  	lr =	sadd.s32 s0, s3;
	s0 =	sld [smem:$0x3FAB]  }
0x30: {  	s3 =	sld [smem:$0x3FAE]  }
0x31: {  	[smem:$0x3FB7] =	sst s10  }
0x32: {  	s10 =	sld [smem:$0x3FB5];
	_ =	sdelay $0x3  }
0x33: {  	p0 =	seq.s32 s10, $0x1;
	s10 =	sld [smem:$0x3FB7];
	_ =	sdelay $0x3  }
0x34: {  	[smem:$0x3FB7] =	sst s10  }
0x35: {  	s10 =	sld [smem:$0x3FB6];
	_ =	sdelay $0x3  }
0x36: {  	p1 =	seq.s32 s10, $0x1;
	s10 =	sld [smem:$0x3FB7];
	_ =	sdelay $0x3  }
0x37: {  	[smem:$0x3FB7] =	sst s10  }
0x38: {  	s10 =	sld [smem:$0x3FB8]  }
0x39: {  	_ = 	snop;
	(pc) =	sbr.ind lr, $3  }
0x3a: {  	_ = 	snop  }
0x3b: {  	_ = 	snop  }
0x3c: {  	p2 =	seq.s32 s10, $0x1;
	s10 =	sld [smem:$0x3FB7]  }
0x3d: {  	_ =	shalt  }
0x3e: {  	_ =	shalt  }
0x3f: {  	_ =	shalt  }
0x40: {  	_ =	shalt  }
0x41: {  	_ =	shalt  }
0x42: {  	_ =	shalt  }
0x43: {  	_ =	shalt  }
0x44: {  	_ =	shalt  }
0x45: {  	_ =	shalt  }
0x46: {  	_ =	shalt  }
0x47: {  	_ =	shalt  }
0x48: {  	_ =	shalt  }
0x49: {  	_ =	shalt  }
0x4a: {  	_ =	shalt  }
0x4b: {  	_ =	shalt  }
0x4c: {  	_ =	shalt  }
0x4d: {  	_ =	shalt  }
0x4e: {  	_ =	shalt  }
0x4f: {  	_ =	shalt  }
0x50: {  	_ =	shalt  }
0x51: {  	_ =	shalt  }
0x52: {  	_ =	shalt  }
0x53: {  	_ =	shalt  }
0x54: {  	_ =	shalt  }
0x55: {  	_ =	shalt  }
0x56: {  	_ =	shalt  }
0x57: {  	_ =	shalt  }
0x58: {  	_ =	shalt  }
0x59: {  	_ =	shalt  }
0x5a: {  	_ =	shalt  }
0x5b: {  	_ =	shalt  }
0x5c: {  	_ =	shalt  }
0x5d: {  	_ =	shalt  }
0x5e: {  	_ =	shalt  }
0x5f: {  	_ =	shalt  }
0x60: {  	_ =	shalt  }
0x61: {  	_ =	shalt  }
0x62: {  	_ =	shalt  }
0x63: {  	_ =	shalt  }
0x64: {  	_ =	shalt  }
0x65: {  	_ =	shalt  }
0x66: {  	_ =	shalt  }
0x67: {  	_ =	shalt  }
0x68: {  	_ =	shalt  }
0x69: {  	_ =	shalt  }
0x6a: {  	_ =	shalt  }
0x6b: {  	_ =	shalt  }
0x6c: {  	_ =	shalt  }
0x6d: {  	_ =	shalt  }
0x6e: {  	_ =	shalt  }
0x6f: {  	_ =	shalt  }
0x70: {  	_ =	shalt  }
0x71: {  	_ =	shalt  }
0x72: {  	_ =	shalt  }
0x73: {  	_ =	shalt  }
0x74: {  	_ =	shalt  }
0x75: {  	_ =	shalt  }
0x76: {  	_ =	shalt  }
0x77: {  	_ =	shalt  }
0x78: {  	_ =	shalt  }
0x79: {  	_ =	shalt  }
0x7a: {  	_ =	shalt  }
0x7b: {  	_ =	shalt  }
0x7c: {  	_ =	shalt  }
0x7d: {  	_ =	shalt  }
0x7e: {  	_ =	shalt  }
0x7f: {  	_ =	shalt  }
0x80: {  	_ =	shalt  }
0x81: {  	_ =	shalt  }
0x82: {  	_ =	shalt  }
0x83: {  	_ =	shalt  }
0x84: {  	_ =	shalt  }
0x85: {  	_ =	shalt  }
0x86: {  	_ =	shalt  }
0x87: {  	_ =	shalt  }
.Lfunc_end0:
.L_simem_size_0:
called_computation_lowered:
.L_overlay_start_0:
0x88: {  	s2 =	sld [smem:$0x3FD9]  }
0x89: {  	s3 =	sld [smem:$0x3FFE];
	_ =	sdelay $0x1  }
0x8a: {  	s1 =	srdreg.scid  }
0x8b: {  	s0 =	sand.u32 $0x1, s1  }
0x8c: {  	s17 =	sshll.u32 s0, $0xA;
	s2 =	sadd.s32 s3, s2  }
0x8d: {  	s2 =	sadd.s32 s2, s17  }
0x8e: {  	[smem:$0x3FC3] =	sst s2  }
0x8f: {  	_ = 	snop  }
0x90: {  	s2 =	sld [smem:$0x3FC9]  }
0x91: {  	s18 =	sld [smem:$0x3FD0];
	(tm) =	ssettm $0x1  }
0x92: {  	s4 =	sld [smem:$0x3FFB];
	_ =	sdelay $0x3  }
0x93: {  	_ =	strace s4  }
0x94: {  	s4 =	sld [smem:$0x3FFC];
	_ =	sdelay $0x3  }
0x95: {  	_ =	strace s4  }
0x96: {  	s4 =	sld [smem:$0x3FFD];
	_ =	sdelay $0x3  }
0x97: {  	_ =	strace s4  }
0x98: {  	_ =	strace $0x8FFFFFFF  }
0x99: {  	s19 =	sld [smem:$0x3FDB];
	_ =	sdelay $0x1  }
0x9a: {  	s5 =	simm.s32 $_scs_section_size  }
0x9b: {  	s6 =	simm.s32 $_size__tile_overlayer_lowered;
	s7 =	simm.s32 $_tile_overlayer_lowered  }
0x9c: {  	s22 =	simm.s32 $0x1BFF;
	s21 =	sshll.u32 s7, $0x1;
	s4 =	sadd.s32 s5, s19  }
0x9d: {  	s8 =	simm.s32 $0x0;
	s20 =	sshll.u32 s6, $0x1;
	s6 =	sadd.s32 s21, s4  }
0x9e: {  	[timem:s8], [sflag:s22] =	dma.local [hbm:s6], s20  }
0x9f: {  	_ =	swait.ge [sflag:s22], s20  }
0xa0: {  	s5 =	ssub.s32 $0x0, s20;
	[sflag:s22] =	ssyncset.done $0x0  }
0xa1: {  	[sflag:s22] =	ssyncadd.s32 s5;
	_ =	sdelay $0x1  }
0xa2: {  	s23 =	simm.s32 $0x1B8B  }
0xa3: {  	_ =	swait.ge [sflag:s23], $0x1  }
0xa4: {  	[sflag:s23] =	ssyncset.done $0x0  }
0xa5: {  	s25 =	simm.s32 $0x1B8E;
	s24 =	sld [smem:$0x3FFE];
	[sflag:s23] =	ssyncadd.s32 $0xFFFFFFFF  }
0xa6: {  	s26 =	simm.s32 $execute0_lowered;
	[smem:$0x3FD2] =	sst s25  }
0xa7: {  	s6 =	sshll.u32 s26, $0x1;
	_ =	strace $0x80000046;
	[dreg:$0x1] =	wrdreg $0xFFFFFFFF  }
0xa8: {  	s28 =	simm.s32 $_size_execute0_lowered;
	s4 =	sadd.s32 s4, s6;
	[dreg:$0x0] =	wrdreg $0x0  }
0xa9: {  	s6 =	sshll.u32 s28, $0x1;
	[dreg:$0x2] =	wrdreg s4  }
0xaa: {  	[dreg:$0x3] =	wrdreg s6  }
0xab: {  	[dreg:$0x4] =	wrdreg $0xC0  }
0xac: {  	_ =	task [dreg:s8], $0x5FFFF  }
0xad: {  	[dreg:$0x1] =	wrdreg $0xFFFFFFFF  }
0xae: {  	[dreg:$0x0] =	wrdreg $0x60  }
0xaf: {  	[dreg:$0x2] =	wrdreg s2  }
0xb0: {  	[dreg:$0x3] =	wrdreg s24  }
0xb1: {  	[dreg:$0x4] =	wrdreg s18  }
0xb2: {  	[dreg:$0x5] =	wrdreg $0x9  }
0xb3: {  	_ =	task.clear_ibuf [dreg:s8], $0x6FFFF;
	_ =	strace $0x90000046  }
0xb4: {  	s29 =	simm.s32 $0x9;
	_ =	strace $0x80000048  }
0xb5: {  	_ =	swait.ge [sflag:s29], $0x1  }
0xb6: {  	[sflag:s29] =	ssyncadd.s32 $0xFFFFFFFF  }
0xb7: {  	_ =	strace $0x90000048  }
0xb8: {  	_ =	sfence  }
0xb9: {  	s30 =	sld [smem:$0x0];
	_ =	sdelay $0x2  }
0xba: {  	s31 =	sshll.u32 s1, $0xD;
	s1 =	sshrl.u32 s1, $0x2  }
0xbb: {  	s3 =	sand.u32 $0x4000, s31;
	s1 =	sadd.s32 s1, s30  }
0xbc: {  	s0 =	sor.u32 s3, s0;
	s1 =	sshll.u32 s1, $0x11  }
0xbd: {  	s0 =	sor.u32 s1, s0  }
0xbe: {  	s0 =	sadd.s32 $0x8F2B, s0  }
0xbf: {  	[sflag:s0] =	ssyncadd.remote.s32 $0x1  }
0xc0: {  	_ =	sfence.sel $0xFFFF  }
0xc1: {  	[dreg:$0x0] =	wrdreg $0xFFFFFFFF;
	(pc) =	sbr.abs _section_cstart, $3  }
0xc2: {  	[dreg:$0x1] =	wrdreg $0xFFFFFFFF  }
0xc3: {  	_ =	task.clear_ibuf [dreg:s8], $0x2FFFF;
	_ =	strace $0x9FFFFFFF  }
0xc4: {  	(tm) =	ssettm $0x7FFFFFFF  }
0xc5: {  	_ =	shalt  }
tec
execute0_lowered:
.L_overlay_start_1:
0x0: {  	(tag) =	ssettag $0x1  }
0x1: {  	s5 =	rddreg [dreg:$0x0];
	s1 =	srdreg.scid  }
0x2: {  	s6 =	rddreg [dreg:$0x1];
	s0 =	stileid.u32  }
0x3: {  	s2 =	rddreg [dreg:$0x2];
	s3 =	simm.s32 $0x0;
	s10 =	simm.s32 $0xD  }
0x4: {  	s11 =	simm.s32 $0x80;
	s12 =	simm.s32 $0x100;
	s13 =	simm.s32 $0x180  }
0x5: {  	s14 =	simm.s32 $0x4180;
	s15 =	simm.s32 $0x8180;
	s16 =	simm.s32 $0x8  }
0x6: {  	s17 =	simm.s32 $0x9;
	s18 =	simm.s32 $0xA;
	s7 =	sand.u32 $0x1, s1  }
0x7: {  	s19 =	simm.s32 $0x0;
	s4 =	sshll.u32 s0, $0xB;
	s8 =	sshll.u32 s7, $0xA  }
0x8: {  	[smem:$0x7FF] =	sst s3;
	s7 =	ssub.s32 $0x2, s7;
	s4 =	sor.u32 s8, s4  }
0x9: {  	s6 =	sadd.s32 $0x600, s6;
	s9 =	sshrl.u32 s7, $0x1;
	s8 =	sshll.u32 s4, $0x7  }
0xa: {  	_ =	strace $0x80000047;
	s9 =	ssub.s32 s7, s9;
	s5 =	sadd.s32 s5, s8  }
0xb: {  	s9 =	smax.u32 s9, $0x1;
	s7 =	sadd.s32 $0x800, s5;
	s8 =	sadd.s32 $0x1000, s5  }
.LBB2_1:
0xc: {  	[tilespmem:s3], [sflag:$0xD] =	stream.linear.gather [hbm4b:s6+s3], $0x80, $0x38;
	[tilespmem:$0x18180] =	vst v63  }
0xd: {  	_ =	swait.ge [sflag:s10], $0x80  }
0xe: {  	[sflag:s10] =	ssyncset.done $0x0  }
0xf: {  	[sflag:s10] =	ssyncadd.s32 $0xFFFFFF80  }
0x10: {  	v0 =	vld [tilespmem:$0x10]  }
0x11: {  	v1 =	vld [tilespmem:$0x20]  }
0x12: {  	v2 =	vld [tilespmem:$0x30];
	_ =	sdelay $0x3  }
0x13: {  	[tilespmem:$0x80] =	vst v1  }
0x14: {  	[tilespmem:$0x100] =	vst v2  }
0x15: {  	v1 =	vld.idx.msk [tilespmem:v0+s11+$0x0], $0xffff;
	_ =	sdelay $0x4  }
0x16: {  	[tilespmem:$0x80] =	vst v1  }
0x17: {  	v0 =	vld.idx.msk [tilespmem:v0+s12+$0x0], $0xffff;
	_ =	sdelay $0x4  }
0x18: {  	(erf) = vrcp.f32 v0;
	_ =	sdelay $0x8  }
0x19: {  	v1 =	vpop (erf)  }
0x1a: {  	[tilespmem:$0x100] =	vst v1  }
0x1b: {  	v0 =	vld [tilespmem:$0x0];
	[tilespmem:s13], [sflag:$0x1] =	stream.linear.gather [hbm4b:s5+s3], $0x4000, $0x38  }
0x1c: {  	_ = 	snop  }
0x1d: {  	[tilespmem:s14], [sflag:$0x2] =	stream.linear.gather [hbm4b:s7+s3], $0x4000, $0x38;
	[tilespmem:$0x18180] =	vst v63  }
0x1e: {  	s20 =	smov.u32 s4;
	s21 =	simm.s32 $0x0  }
0x1f: {  	[tilespmem:s15], [sflag:$0x3] =	stream.linear.gather [hbm4b:s8+s3], $0x4000, $0x38;
	[tilespmem:$0x18180] =	vst v63  }
.LBB2_2:
0x20: {  	s22 =	smul.u32 $0xAB, s21;
	_ =	sdelay $0x1  }
0x21: {  	s23 =	sadd.s32 $0x201, s22  }
0x22: {  	s23 =	sshrl.u32 s23, $0xA  }
0x23: {  	s23 =	sand.u32 $0x3F, s23  }
0x24: {  	s23 =	smul.u32 $0x6, s23  }
0x25: {  	s24 =	sadd.s32 $0x3, s21;
	p0 =	slt.u32 s21, $0x3;
	s22 =	sshrl.u32 s22, $0xA  }
0x26: {  	s26 =	sshll.u32 s21, $0x4;
	s22 =	sand.u32 $0x3F, s22;
	s23 =	ssub.s32 s24, s23  }
0x27: {  	s28 =	smov.u32 s20;
	s22 =	smul.u32 $0x6, s22;
	s23 =	sand.u32 $0xFF, s23  }
0x28: {  	s29 =	simm.s32 $0x0;
	p1 =	sgt.u32 @!p0 s21, $0x3C;
	s25 =	sadd.s32 @!p0 $0x7, s23  }
0x29: {  	p1 =	por p0, !p1;
	s22 =	ssub.s32 s21, s22;
	_ =	swait.ge @!p0 [sflag:s25], $0x4000  }
0x2a: {  	s24 =	sshll.u32 @p1 s24, $0xB;
	s22 =	sand.u32 $0xFF, s22;
	[sflag:s25] =	ssyncset.done @!p0 $0x0  }
0x2b: {  	s24 =	sadd.s32 @p1 s24, s5;
	[sflag:s25] =	ssyncadd.s32 @!p0 $0xFFFFC000;
	s25 =	sshll.u32 @p1 s23, $0xE  }
0x2c: {  	s1 =	sadd.s32 $0x1, s22;
	s23 =	sadd.s32 @p1 $0x1, s23;
	s25 =	sor.u32 @p1 $0x180, s25  }
0x2d: {  	[tilespmem:s25], [sflag:s23] =	stream.linear.gather @p1 [hbm4b:s24+s3], $0x4000, $0x38;
	[tilespmem:$0x18180] =	vst v63  }
0x2e: {  	s30 =	simm.s32 $0x0;
	s31 =	sshll.u32 s22, $0xE;
	_ =	swait.ge [sflag:s1], $0x4000  }
0x2f: {  	s23 =	sadd.s32 s4, s26;
	s24 =	sor.u32 $0x180, s31;
	[sflag:s1] =	ssyncset.done $0x0  }
0x30: {  	s25 =	simm.s32 $0x0;
	s26 =	simm.s32 $0xFFFFC000;
	v1 =	vmov s24;
	[sflag:s1] =	ssyncadd.s32 $0xFFFFC000  }
.LBB2_3:
0x31: {  	vm0 =	vle.s32 v0, s28  }
0x32: {  	s31 =	sadd.s32 $0x4000, s26;
	v3 =	vmpcnt.ones.xlane vm0  }
0x33: {  	s31 =	sand.u32 $0x2000, s31  }
0x34: {  	s1 =	sand.u32 $0x380, s30;
	s31 =	sadd.s32 s31, s24  }
0x35: {  	s31 =	sadd.s32 s1, s31  }
0x36: {  	v4 =	vld [tilespmem:s31+$0x0]  }
0x37: {  	v5 =	vld [tilespmem:s31+$0x10]  }
0x38: {  	v2 =	vld.idx.msk [tilespmem:v3+s11+$0x0], $0xffff  }
0x39: {  	v6 =	vld [tilespmem:s31+$0x20]  }
0x3a: {  	v3 =	vld.idx.msk [tilespmem:v3+s12+$0x0], $0xffff  }
0x3b: {  	v7 =	vld [tilespmem:s31+$0x30]  }
0x3c: {  	v8 =	vld [tilespmem:s31+$0x50]  }
0x3d: {  	v9 =	vld [tilespmem:s31+$0x60];
	v4 =	vsub.f32 v4, v2  }
0x3e: {  	v10 =	vld [tilespmem:s31+$0x70];
	v5 =	vsub.f32 v5, v2  }
0x3f: {  	v11 =	vld [tilespmem:s31+$0x400];
	v6 =	vsub.f32 v6, v2;
	v4 =	vmul.f32 v4, v3  }
0x40: {  	v12 =	vld [tilespmem:s31+$0x410];
	v7 =	vsub.f32 v7, v2;
	v5 =	vmul.f32 v5, v3  }
0x41: {  	v57 =	vld [tilespmem:s31+$0x420];
	v56 =	vsub.f32 v8, v2;
	v55 =	vmul.f32 v6, v3;
	[tilespmem:s31+$0x0] =	vst v4  }
0x42: {  	v60 =	vld [tilespmem:s31+$0x430];
	v59 =	vsub.f32 v9, v2;
	v58 =	vmul.f32 v7, v3;
	[tilespmem:s31+$0x10] =	vst v5  }
0x43: {  	v63 =	vld [tilespmem:s31+$0x450];
	v62 =	vsub.f32 v10, v2;
	v61 =	vmul.f32 v56, v3;
	[tilespmem:s31+$0x20] =	vst v55  }
0x44: {  	v18 =	vld [tilespmem:s31+$0x460];
	v17 =	vsub.f32 v11, v2;
	v16 =	vmul.f32 v59, v3;
	[tilespmem:s31+$0x30] =	vst v58  }
0x45: {  	v21 =	vld [tilespmem:s31+$0x470];
	v20 =	vsub.f32 v12, v2;
	v19 =	vmul.f32 v62, v3;
	[tilespmem:s31+$0x50] =	vst v61  }
0x46: {  	v24 =	vld [tilespmem:s31+$0x800];
	v23 =	vsub.f32 v57, v2;
	v22 =	vmul.f32 v17, v3;
	[tilespmem:s31+$0x60] =	vst v16  }
0x47: {  	v27 =	vld [tilespmem:s31+$0x810];
	v26 =	vsub.f32 v60, v2;
	v25 =	vmul.f32 v20, v3;
	[tilespmem:s31+$0x70] =	vst v19  }
0x48: {  	v30 =	vld [tilespmem:s31+$0x820];
	v29 =	vsub.f32 v63, v2;
	v28 =	vmul.f32 v23, v3;
	[tilespmem:s31+$0x400] =	vst v22  }
0x49: {  	v33 =	vld [tilespmem:s31+$0x830];
	v32 =	vsub.f32 v18, v2;
	v31 =	vmul.f32 v26, v3;
	[tilespmem:s31+$0x410] =	vst v25  }
0x4a: {  	v36 =	vld [tilespmem:s31+$0x850];
	v35 =	vsub.f32 v21, v2;
	v34 =	vmul.f32 v29, v3;
	[tilespmem:s31+$0x420] =	vst v28  }
0x4b: {  	v39 =	vld [tilespmem:s31+$0x860];
	v38 =	vsub.f32 v24, v2;
	v37 =	vmul.f32 v32, v3;
	[tilespmem:s31+$0x430] =	vst v31  }
0x4c: {  	v42 =	vld [tilespmem:s31+$0x870];
	v41 =	vsub.f32 v27, v2;
	v40 =	vmul.f32 v35, v3;
	[tilespmem:s31+$0x450] =	vst v34  }
0x4d: {  	v45 =	vld [tilespmem:s31+$0xC00];
	v44 =	vsub.f32 v30, v2;
	v43 =	vmul.f32 v38, v3;
	[tilespmem:s31+$0x460] =	vst v37  }
0x4e: {  	v48 =	vld [tilespmem:s31+$0xC10];
	v47 =	vsub.f32 v33, v2;
	v46 =	vmul.f32 v41, v3;
	[tilespmem:s31+$0x470] =	vst v40  }
0x4f: {  	v51 =	vld [tilespmem:s31+$0xC20];
	v50 =	vsub.f32 v36, v2;
	v49 =	vmul.f32 v44, v3;
	[tilespmem:s31+$0x800] =	vst v43  }
0x50: {  	v54 =	vld [tilespmem:s31+$0xC30];
	v53 =	vsub.f32 v39, v2;
	v52 =	vmul.f32 v47, v3;
	[tilespmem:s31+$0x810] =	vst v46  }
0x51: {  	v57 =	vld [tilespmem:s31+$0xC50];
	v56 =	vsub.f32 v42, v2;
	[tilespmem:s31+$0x820] =	vst v49;
	v55 =	vmul.f32 v50, v3  }
0x52: {  	v60 =	vld [tilespmem:s31+$0xC60];
	v59 =	vsub.f32 v45, v2;
	[tilespmem:s31+$0x830] =	vst v52;
	v58 =	vmul.f32 v53, v3  }
0x53: {  	v63 =	vld [tilespmem:s31+$0xC70];
	v62 =	vsub.f32 v48, v2;
	v61 =	vmul.f32 v56, v3;
	[tilespmem:s31+$0x850] =	vst v55  }
0x54: {  	v18 =	vld [tilespmem:s31+$0x1000];
	v17 =	vsub.f32 v51, v2;
	v16 =	vmul.f32 v59, v3;
	[tilespmem:s31+$0x860] =	vst v58  }
0x55: {  	v21 =	vld [tilespmem:s31+$0x1010];
	v20 =	vsub.f32 v54, v2;
	v19 =	vmul.f32 v62, v3;
	[tilespmem:s31+$0x870] =	vst v61  }
0x56: {  	v24 =	vld [tilespmem:s31+$0x1020];
	v22 =	vmul.f32 v17, v3;
	v23 =	vsub.f32 v57, v2;
	[tilespmem:s31+$0xC00] =	vst v16  }
0x57: {  	v27 =	vld [tilespmem:s31+$0x1030];
	v25 =	vmul.f32 v20, v3;
	v26 =	vsub.f32 v60, v2;
	[tilespmem:s31+$0xC10] =	vst v19  }
0x58: {  	v30 =	vld [tilespmem:s31+$0x1050];
	v29 =	vsub.f32 v63, v2;
	[tilespmem:s31+$0xC20] =	vst v22;
	v28 =	vmul.f32 v23, v3  }
0x59: {  	v33 =	vld [tilespmem:s31+$0x1060];
	v32 =	vsub.f32 v18, v2;
	[tilespmem:s31+$0xC30] =	vst v25;
	v31 =	vmul.f32 v26, v3  }
0x5a: {  	v36 =	vld [tilespmem:s31+$0x1070];
	v35 =	vsub.f32 v21, v2;
	v34 =	vmul.f32 v29, v3;
	[tilespmem:s31+$0xC50] =	vst v28  }
0x5b: {  	v39 =	vld [tilespmem:s31+$0x1400];
	v38 =	vsub.f32 v24, v2;
	v37 =	vmul.f32 v32, v3;
	[tilespmem:s31+$0xC60] =	vst v31  }
0x5c: {  	v42 =	vld [tilespmem:s31+$0x1410];
	v41 =	vsub.f32 v27, v2;
	v40 =	vmul.f32 v35, v3;
	[tilespmem:s31+$0xC70] =	vst v34  }
0x5d: {  	v45 =	vld [tilespmem:s31+$0x1420];
	v44 =	vsub.f32 v30, v2;
	v43 =	vmul.f32 v38, v3;
	[tilespmem:s31+$0x1000] =	vst v37  }
0x5e: {  	v48 =	vld [tilespmem:s31+$0x1430];
	v47 =	vsub.f32 v33, v2;
	v46 =	vmul.f32 v41, v3;
	[tilespmem:s31+$0x1010] =	vst v40  }
0x5f: {  	v51 =	vld [tilespmem:s31+$0x1450];
	v50 =	vsub.f32 v36, v2;
	v49 =	vmul.f32 v44, v3;
	[tilespmem:s31+$0x1020] =	vst v43  }
0x60: {  	v54 =	vld [tilespmem:s31+$0x1460];
	v53 =	vsub.f32 v39, v2;
	v52 =	vmul.f32 v47, v3;
	[tilespmem:s31+$0x1030] =	vst v46  }
0x61: {  	v17 =	vld [tilespmem:s31+$0x1820];
	v55 =	vmul.f32 v50, v3;
	v56 =	vsub.f32 v42, v2;
	[tilespmem:s31+$0x1050] =	vst v49  }
0x62: {  	v20 =	vld [tilespmem:s31+$0x1830];
	v58 =	vmul.f32 v53, v3;
	v59 =	vsub.f32 v45, v2;
	[tilespmem:s31+$0x1060] =	vst v52  }
0x63: {  	v57 =	vld [tilespmem:s31+$0x1470];
	v62 =	vsub.f32 v48, v2;
	[tilespmem:s31+$0x1070] =	vst v55;
	v61 =	vmul.f32 v56, v3  }
0x64: {  	v60 =	vld [tilespmem:s31+$0x1800];
	v16 =	vsub.f32 v51, v2;
	[tilespmem:s31+$0x1400] =	vst v58;
	v15 =	vmul.f32 v59, v3  }
0x65: {  	v63 =	vld [tilespmem:s31+$0x1810];
	v19 =	vsub.f32 v54, v2;
	v18 =	vmul.f32 v62, v3;
	[tilespmem:s31+$0x1410] =	vst v61  }
0x66: {  	v23 =	vld [tilespmem:s31+$0x1850];
	v21 =	vmul.f32 v16, v3;
	v31 =	vsub.f32 v17, v2;
	[tilespmem:s31+$0x1420] =	vst v15  }
0x67: {  	v26 =	vld [tilespmem:s31+$0x1860];
	v24 =	vmul.f32 v19, v3;
	v33 =	vsub.f32 v20, v2;
	[tilespmem:s31+$0x1430] =	vst v18  }
0x68: {  	v29 =	vld [tilespmem:s31+$0x1870];
	v22 =	vsub.f32 v57, v2;
	[tilespmem:s31+$0x1450] =	vst v21;
	v35 =	vmul.f32 v31, v3  }
0x69: {  	v25 =	vsub.f32 v60, v2;
	[tilespmem:s31+$0x1460] =	vst v24;
	v38 =	vmul.f32 v33, v3  }
0x6a: {  	v28 =	vsub.f32 v63, v2;
	v27 =	vmul.f32 v22, v3;
	[tilespmem:s31+$0x1820] =	vst v35  }
0x6b: {  	v45 =	vld [tilespmem:s31+$0x1040];
	v30 =	vmul.f32 v25, v3;
	v36 =	vsub.f32 v23, v2;
	[tilespmem:s31+$0x1830] =	vst v38  }
0x6c: {  	v48 =	vld [tilespmem:s31+$0x1440];
	v32 =	vmul.f32 v28, v3;
	v39 =	vsub.f32 v26, v2;
	[tilespmem:s31+$0x1470] =	vst v27  }
0x6d: {  	v50 =	vld [tilespmem:s31+$0x1840];
	v42 =	vsub.f32 v29, v2;
	[tilespmem:s31+$0x1800] =	vst v30;
	v41 =	vmul.f32 v36, v3  }
0x6e: {  	s0 =	sand.u32 $0x7, s25;
	v34 =	vld [tilespmem:s31+$0x40];
	[tilespmem:s31+$0x1810] =	vst v32;
	v44 =	vmul.f32 v39, v3  }
0x6f: {  	s1 =	sshll.u32 s0, $0x7;
	v37 =	vld [tilespmem:s31+$0x440];
	v46 =	vmul.f32 v42, v3;
	[tilespmem:s31+$0x1850] =	vst v41  }
0x70: {  	s1 =	sadd.s32 s1, s29;
	v40 =	vld [tilespmem:s31+$0x840];
	v55 =	vsub.f32 v45, v2;
	[tilespmem:s31+$0x1860] =	vst v44  }
0x71: {  	s0 =	sor.u32 $0x1C00, s1;
	v43 =	vld [tilespmem:s31+$0xC40];
	v57 =	vsub.f32 v48, v2;
	[tilespmem:s31+$0x1870] =	vst v46  }
0x72: {  	v59 =	vsub.f32 v50, v2;
	v58 =	vmul.f32 v55, v3;
	v53 =	vld.idx.msk [tilespmem:v1+s0+$0x0 ss:$0x1], $0xffff  }
0x73: {  	v47 =	vsub.f32 v34, v2;
	v60 =	vmul.f32 v57, v3  }
0x74: {  	v49 =	vsub.f32 v37, v2;
	v62 =	vmul.f32 v59, v3;
	[tilespmem:s31+$0x1040] =	vst v58  }
0x75: {  	v52 =	vsub.f32 v40, v2;
	v51 =	vmul.f32 v47, v3;
	[tilespmem:s31+$0x1440] =	vst v60  }
0x76: {  	v11 =	vsub.f32 v43, v2;
	v5 =	vmul.f32 v49, v3;
	[tilespmem:s31+$0x1840] =	vst v62  }
0x77: {  	v54 =	vmul.f32 v52, v3;
	[tilespmem:s31+$0x40] =	vst v51;
	v61 =	vsub.f32 v53, v2  }
0x78: {  	v56 =	vmul.f32 v11, v3;
	[tilespmem:s31+$0x440] =	vst v5  }
0x79: {  	[tilespmem:s31+$0x840] =	vst v54;
	v63 =	vmul.f32 v61, v3  }
0x7a: {  	[tilespmem:s31+$0xC40] =	vst v56  }
0x7b: {  	s31 =	sor.u32 $0x1C10, s1;
	[tilespmem:v1+s0+$0x0 ss:$0x1] =	vst.idx.msk $0xffff, v63  }
0x7c: {  	v4 =	vld.idx.msk [tilespmem:v1+s31+$0x0 ss:$0x1], $0xffff;
	_ =	sdelay $0x4  }
0x7d: {  	v4 =	vsub.f32 v4, v2;
	_ =	sdelay $0x1  }
0x7e: {  	v4 =	vmul.f32 v4, v3;
	_ =	sdelay $0x1  }
0x7f: {  	[tilespmem:v1+s31+$0x0 ss:$0x1] =	vst.idx.msk $0xffff, v4;
	s31 =	sor.u32 $0x1C20, s1  }
0x80: {  	v4 =	vld.idx.msk [tilespmem:v1+s31+$0x0 ss:$0x1], $0xffff;
	_ =	sdelay $0x4  }
0x81: {  	v4 =	vsub.f32 v4, v2;
	_ =	sdelay $0x1  }
0x82: {  	v4 =	vmul.f32 v4, v3;
	_ =	sdelay $0x1  }
0x83: {  	[tilespmem:v1+s31+$0x0 ss:$0x1] =	vst.idx.msk $0xffff, v4;
	s31 =	sor.u32 $0x1C30, s1  }
0x84: {  	v4 =	vld.idx.msk [tilespmem:v1+s31+$0x0 ss:$0x1], $0xffff;
	_ =	sdelay $0x4  }
0x85: {  	v4 =	vsub.f32 v4, v2;
	_ =	sdelay $0x1  }
0x86: {  	v4 =	vmul.f32 v4, v3;
	_ =	sdelay $0x1  }
0x87: {  	[tilespmem:v1+s31+$0x0 ss:$0x1] =	vst.idx.msk $0xffff, v4;
	s31 =	sor.u32 $0x1C40, s1  }
0x88: {  	v4 =	vld.idx.msk [tilespmem:v1+s31+$0x0 ss:$0x1], $0xffff;
	_ =	sdelay $0x4  }
0x89: {  	v4 =	vsub.f32 v4, v2;
	_ =	sdelay $0x1  }
0x8a: {  	v4 =	vmul.f32 v4, v3;
	_ =	sdelay $0x1  }
0x8b: {  	[tilespmem:v1+s31+$0x0 ss:$0x1] =	vst.idx.msk $0xffff, v4;
	s31 =	sor.u32 $0x1C50, s1  }
0x8c: {  	v4 =	vld.idx.msk [tilespmem:v1+s31+$0x0 ss:$0x1], $0xffff;
	_ =	sdelay $0x4  }
0x8d: {  	v4 =	vsub.f32 v4, v2;
	_ =	sdelay $0x1  }
0x8e: {  	v4 =	vmul.f32 v4, v3;
	_ =	sdelay $0x1  }
0x8f: {  	[tilespmem:v1+s31+$0x0 ss:$0x1] =	vst.idx.msk $0xffff, v4;
	s31 =	sor.u32 $0x1C60, s1  }
0x90: {  	v4 =	vld.idx.msk [tilespmem:v1+s31+$0x0 ss:$0x1], $0xffff;
	_ =	sdelay $0x4  }
0x91: {  	v4 =	vsub.f32 v4, v2;
	_ =	sdelay $0x1  }
0x92: {  	v4 =	vmul.f32 v4, v3;
	_ =	sdelay $0x1  }
0x93: {  	[tilespmem:v1+s31+$0x0 ss:$0x1] =	vst.idx.msk $0xffff, v4;
	s31 =	sor.u32 $0x1C70, s1  }
0x94: {  	v4 =	vld.idx.msk [tilespmem:v1+s31+$0x0 ss:$0x1], $0xffff;
	_ =	sdelay $0x3  }
0x95: {  	p0 =	sne.s32 s30, $0x780  }
.Ltmp0:
0x96: {  	v2 =	vsub.f32 v4, v2;
	(pc) =	sbr.rel @p0 .LBB2_3-.Ltmp0, $4  }
0x97: {  	_ = 	snop  }
0x98: {  	v2 =	vmul.f32 v2, v3  }
0x99: {  	s25 =	sadd.s32 $0x1, s25;
	s26 =	sadd.s32 $0x400, s26  }
0x9a: {  	s28 =	sadd.s32 $0x1, s28;
	s30 =	sadd.s32 $0x80, s30;
	s29 =	sadd.s32 $0x400, s29;
	[tilespmem:v1+s31+$0x0 ss:$0x1] =	vst.idx.msk $0xffff, v2  }
0x9b: {  	s21 =	sadd.s32 $0x1, s21  }
0x9c: {  	p0 =	sne.s32 s21, $0x40  }
.Ltmp1:
0x9d: {  	_ = 	snop;
	(pc) =	sbr.rel @p0 .LBB2_2-.Ltmp1, $4  }
0x9e: {  	_ = 	snop  }
0x9f: {  	s0 =	sshll.u32 s23, $0x7  }
0xa0: {  	s1 =	sadd.s32 $0x7, s22;
	s20 =	sadd.s32 $0x10, s20;
	s0 =	sadd.s32 s2, s0  }
0xa1: {  	[hbm4b:s0+s3] =	stream.linear.scatter [tilespmem:s24], [sflag:s1], $0x4000, $0x38;
	[tilespmem:$0x18180] =	vst v63  }
0xa2: {  	_ =	swait.ge [sflag:s16], $0x4000  }
0xa3: {  	[sflag:s16] =	ssyncset.done $0x0  }
0xa4: {  	s19 =	sadd.s32 $0x1, s19;
	[sflag:s16] =	ssyncadd.s32 $0xFFFFC000  }
0xa5: {  	p0 =	sne.s32 s19, s9;
	_ =	swait.ge [sflag:s17], $0x4000  }
.Ltmp2:
0xa6: {  	[sflag:s17] =	ssyncset.done $0x0;
	(pc) =	sbr.rel @p0 .LBB2_1-.Ltmp2, $4  }
0xa7: {  	[sflag:s17] =	ssyncadd.s32 $0xFFFFC000  }
0xa8: {  	_ =	swait.ge [sflag:s18], $0x4000  }
0xa9: {  	[sflag:s18] =	ssyncset.done $0x0  }
0xaa: {  	[sflag:s18] =	ssyncadd.s32 $0xFFFFC000  }
0xab: {  	_ =	sfence.sel $0x180000  }
0xac: {  	[bflag:$0x0] =	sbarrier.arrive $0xFFFF  }
0xad: {  	_ =	strace $0x90000047  }
0xae: {  	s0 =	stileid.u32;
	[bflag:$0x2] =	sbarrier.arrive $0xFFFF  }
0xaf: {  	p0 =	sne.s32 s0, $0x0;
	s0 =	rddreg [dreg:$0x3]  }
0xb0: {  	s0 =	sadd.s32 @!p0 $0x100000, s0  }
0xb1: {  	[sflag:s0] =	ssyncadd.tile.s32 @!p0 $0x1;
	_ =	shalt  }
.Lfunc_end2:
_tile_overlayer_lowered:
.L_overlay_start_2:
0xb2: {  	(tag) =	ssettag $0x2  }
0xb3: {  	s0 =	rddreg [dreg:$0x0];
	s2 =	stileid.u32  }
0xb4: {  	s1 =	rddreg [dreg:$0x1];
	p0 =	sne.s32 s2, $0x0  }
0xb5: {  	s3 =	rddreg [dreg:$0x2];
	[bflag:$0x3] =	sbarrier.arrive $0xFFFF;
	s2 =	simm.s32 @!p0 $0x1C0D  }
0xb6: {  	[timem:s3], [sflag:s2] =	dma.local @!p0 [hbm:s0], s1  }
0xb7: {  	s0 =	simm.s32 @!p0 $0xD  }
0xb8: {  	_ =	swait.ge @!p0 [sflag:s0], s1  }
0xb9: {  	s1 =	ssub.s32 @!p0 $0x0, s1;
	[sflag:s0] =	ssyncset.done @!p0 $0x0  }
0xba: {  	[sflag:s0] =	ssyncadd.s32 @!p0 s1  }
0xbb: {  	[bflag:$0x3] =	sbarrier.arrive $0xFFFF  }
0xbc: {  	_ =	shalt  }

</sc_bundles>
